<compile_context>
chip_gen: v7x
topology: tpu7x:2x2x1
jax: 0.10.2.dev20260603
libtpu: 0.0.44.dev20260713+nightly
codegen_flags: <defaults>
</compile_context>

<pallas_src>
import functools

import jax
import jax.numpy as jnp
from jax import lax
from jax.experimental import pallas as pl
from jax.experimental.pallas import tpu as pltpu, tpu_sc as plsc

N = 4096
K = 8
EMB = 8
OUT_DIM = K * EMB

R = 512
GRID = N // R

NC = 2
NS = 16
L = 16
NW = NC * NS
ROWS_W = N // NW
ITEMS_W = ROWS_W * K


def _tc_topk_body(obs2_blk, obs2t, obs1t, idx_ref, velt_ref):
    pid = pl.program_id(0)

    @pl.when(pid == 0)
    def _():
        velt_ref[...] = obs2t[...] - obs1t[...]

    xj = obs2t[0:1, :]
    yj = obs2t[1:2, :]
    xi = obs2_blk[:, 0:1]
    yi = obs2_blk[:, 1:2]
    dx = xj - xi
    dy = yj - yi
    d = jnp.sqrt(dx * dx + dy * dy + 1.0)
    cols = lax.broadcasted_iota(jnp.int32, (R, N), 1)
    rows = lax.broadcasted_iota(jnp.int32, (R, N), 0) + pid * R
    colsf = cols.astype(jnp.float32)
    d = jnp.where(cols == rows, jnp.float32(1e30), d)

    outs = []
    for k in range(K):
        m = jnp.min(d, axis=1, keepdims=True)
        cand = jnp.where(d <= m, colsf, jnp.float32(N))
        ik = jnp.min(cand, axis=1, keepdims=True)
        outs.append(ik)
        if k < K - 1:
            d = jnp.where(colsf == ik, jnp.float32(2e30), d)
    idx_ref[...] = jnp.concatenate(outs, axis=1).astype(jnp.int32)


def _tc_topk(obs2, obs2t, obs1t):
    return pl.pallas_call(
        _tc_topk_body,
        grid=(GRID,),
        in_specs=[
            pl.BlockSpec((R, 2), lambda i: (i, 0)),
            pl.BlockSpec((2, N), lambda i: (0, 0)),
            pl.BlockSpec((2, N), lambda i: (0, 0)),
        ],
        out_specs=[
            pl.BlockSpec((R, K), lambda i: (i, 0)),
            pl.BlockSpec((2, N), lambda i: (0, 0)),
        ],
        out_shape=[
            jax.ShapeDtypeStruct((N, K), jnp.int32),
            jax.ShapeDtypeStruct((2, N), jnp.float32),
        ],
    )(obs2, obs2t, obs1t)


def _sc_body(idx_hbm, obs2t_hbm, velt_hbm, w_hbm, b_hbm, out_hbm,
             idx_v, o2x_v, o2y_v, vlx_v, vly_v, params_v, out_v, sem):
    wid = lax.axis_index("s") * NC + lax.axis_index("c")
    base_row = wid * ROWS_W
    base_item = wid * ITEMS_W

    copies = [
        pltpu.async_copy(idx_hbm.at[pl.ds(base_item, ITEMS_W)], idx_v, sem),
        pltpu.async_copy(obs2t_hbm.at[0], o2x_v, sem),
        pltpu.async_copy(obs2t_hbm.at[1], o2y_v, sem),
        pltpu.async_copy(velt_hbm.at[0], vlx_v, sem),
        pltpu.async_copy(velt_hbm.at[1], vly_v, sem),
        pltpu.async_copy(w_hbm, params_v.at[pl.ds(0, 48)], sem),
        pltpu.async_copy(b_hbm, params_v.at[pl.ds(48, EMB)], sem),
    ]
    for c in copies:
        c.wait()

    v0 = params_v[pl.ds(0, L)]
    v1 = params_v[pl.ds(16, L)]
    v2 = params_v[pl.ds(32, L)]
    v3 = params_v[pl.ds(48, L)]
    w0 = [v0[e] for e in range(EMB)]
    w1 = [v0[EMB + e] for e in range(EMB)]
    w3 = [v1[EMB + e] for e in range(EMB)]
    w4 = [v2[e] for e in range(EMB)]
    cb = [v1[e] + v2[EMB + e] + v3[e] for e in range(EMB)]

    iota = lax.iota(jnp.int32, L)
    rowpat = lax.shift_right_logical(iota, 3)
    colpat = jnp.bitwise_and(iota, K - 1) * EMB
    rowglob = rowpat + base_row

    @plsc.parallel_loop(0, ITEMS_W // L, unroll=4)
    def body(t):
        off = t * L
        r2 = t * 2
        kidx = idx_v[pl.ds(off, L)]
        rowv = rowglob + r2
        px = plsc.load_gather(o2x_v, [kidx])
        py = plsc.load_gather(o2y_v, [kidx])
        cx = plsc.load_gather(o2x_v, [rowv])
        cy = plsc.load_gather(o2y_v, [rowv])
        vxj = plsc.load_gather(vlx_v, [kidx])
        vyj = plsc.load_gather(vly_v, [kidx])
        vxi = plsc.load_gather(vlx_v, [rowv])
        vyi = plsc.load_gather(vly_v, [rowv])
        dx = px - cx
        dy = py - cy
        dvx = vxj - vxi
        dvy = vyj - vyi
        rloc = rowpat + r2
        for e in range(EMB):
            emb = jnp.maximum(
                dx * w0[e] + dy * w1[e] + dvx * w3[e] + dvy * w4[e] + cb[e],
                jnp.float32(0.0))
            plsc.store_scatter(out_v, [rloc, colpat + e], emb)
    pltpu.sync_copy(out_v, out_hbm.at[pl.ds(base_row, ROWS_W), :])


@functools.lru_cache(maxsize=1)
def _sc_gather_mlp():
    return pl.kernel(
        _sc_body,
        out_type=jax.ShapeDtypeStruct((N, OUT_DIM), jnp.float32),
        mesh=plsc.VectorSubcoreMesh(core_axis_name="c", subcore_axis_name="s",
                                    num_cores=NC, num_subcores=NS),
        compiler_params=pltpu.CompilerParams(needs_layout_passes=False),
        scratch_types=[
            pltpu.VMEM((ITEMS_W,), jnp.int32),
            pltpu.VMEM((N,), jnp.float32),
            pltpu.VMEM((N,), jnp.float32),
            pltpu.VMEM((N,), jnp.float32),
            pltpu.VMEM((N,), jnp.float32),
            pltpu.VMEM((64,), jnp.float32),
            pltpu.VMEM((ROWS_W, OUT_DIM), jnp.float32),
            pltpu.SemaphoreType.DMA,
        ],
    )


def kernel(unused, obs1, obs2, W, b):
    obs2t = obs2.T
    obs1t = obs1.T
    idx, velt = _tc_topk(obs2, obs2t, obs1t)
    return _sc_gather_mlp()(idx.reshape(-1), obs2t, velt, W.reshape(-1), b)

# --- scband reference (transcript-rebuilt; emitter-appended) ---
"""Pipeline reference for scband-nn-tag-pooling-46634754900239 (READ-ONLY COPY).

The authoritative reference and input builder live on the scoring server;
editing this copy changes nothing except your own understanding.
"""

import jax, jax.numpy as jnp
import numpy as np

N = 4096
N_NEAR = 8
OUT_DIM = 64
EMB_DIM = OUT_DIM // N_NEAR  # 8


def setup_inputs(seed: int = 0) -> dict:
    key = jax.random.key(seed)
    k1, k2, k3, k4 = jax.random.split(key, 4)
    unused = jnp.zeros((1,), dtype=jnp.float32)
    obs1 = jax.random.normal(k1, (N, 2), dtype=jnp.float32)
    obs2 = jax.random.normal(k2, (N, 2), dtype=jnp.float32)
    # torch.nn.Linear(6, EMB_DIM): weight [EMB_DIM, 6], bias [EMB_DIM].
    # We store W transposed as [6, EMB_DIM] for x @ W.
    W = jax.random.normal(k3, (6, EMB_DIM), dtype=jnp.float32) * 0.1
    b = jax.random.normal(k4, (EMB_DIM,), dtype=jnp.float32) * 0.1
    return {"unused": unused, "obs1": obs1, "obs2": obs2, "W": W, "b": b}


def reference(unused, obs1, obs2, W, b):
    n = obs2.shape[0]
    vel = obs2 - obs1  # [N, 2]
    # rel_direction[i, j] = vel[j] - vel[i]
    rel_dir = vel[None, :, :] - vel[:, None, :]  # [N, N, 2]
    # rel_position[i, j] = obs2[j] - obs2[i]
    rel_pos = obs2[None, :, :] - obs2[:, None, :]  # [N, N, 2]
    # distance includes the visible-tag column of ones: sqrt(dx^2 + dy^2 + 1)
    dist = jnp.sqrt(rel_pos[..., 0] ** 2 + rel_pos[..., 1] ** 2 + 1.0)  # [N, N]
    # exclude self (torch code removes the diagonal before topk)
    eye = jnp.eye(n, dtype=bool)
    dist = jnp.where(eye, jnp.float32(1e30), dist)
    # torch.topk(-rel_distance, n_near): n_near smallest distances
    _, idx = jax.lax.top_k(-dist, N_NEAR)  # idx [N, N_NEAR]
    nearest_pos = jnp.take_along_axis(rel_pos, idx[..., None], axis=1)  # [N, K, 2]
    nearest_vel = jnp.take_along_axis(rel_dir, idx[..., None], axis=1)  # [N, K, 2]
    tag = jnp.ones((n, N_NEAR, 1), dtype=jnp.float32)
    # per-neighbor feature: [px, py, 1, vx, vy, 1]
    feat = jnp.concatenate([nearest_pos, tag, nearest_vel, tag], axis=2)  # [N, K, 6]
    emb = jax.nn.relu(feat @ W + b)  # [N, K, EMB_DIM]
    return emb.reshape(n, -1)  # [N, OUT_DIM]

if __name__ == "__main__":
    import jax
    _d = setup_inputs()
    print(jax.jit(kernel)(*tuple(_d.values())))

</pallas_src>

<mosaic_0001>
#map = affine_map<(d0, d1) -> (0)>
#map1 = affine_map<(d0, d1) -> (0, 0)>
module attributes {stable_mosaic.version = 14 : i64} {
  func.func @_sc_body(%arg0: i32, %arg1: i32, %arg2: memref<32768xi32, #tpu.memory_space<hbm>>, %arg3: memref<2x4096xf32, #tpu.memory_space<hbm>>, %arg4: memref<2x4096xf32, #tpu.memory_space<hbm>>, %arg5: memref<48xf32, #tpu.memory_space<hbm>>, %arg6: memref<8xf32, #tpu.memory_space<hbm>>, %arg7: memref<4096x64xf32, #tpu.memory_space<hbm>>, %arg8: memref<1024xi32, #tpu.memory_space<vmem>>, %arg9: memref<4096xf32, #tpu.memory_space<vmem>>, %arg10: memref<4096xf32, #tpu.memory_space<vmem>>, %arg11: memref<4096xf32, #tpu.memory_space<vmem>>, %arg12: memref<4096xf32, #tpu.memory_space<vmem>>, %arg13: memref<64xf32, #tpu.memory_space<vmem>>, %arg14: memref<128x64xf32, #tpu.memory_space<vmem>>, %arg15: memref<!tpu.dma_semaphore, #tpu.memory_space<semaphore_mem>>) attributes {dimension_semantics = [#tpu.dimension_semantics<core_parallel>, #tpu.dimension_semantics<subcore_parallel>], iteration_bounds = array<i64: 2, 16>, scalar_prefetch = 0 : i64, scratch_operands = 8 : i64, tpu.core_type = #tpu.core_type<sc_vector_subcore>, window_params = [{transform_indices = #map}, {transform_indices = #map1}, {transform_indices = #map1}, {transform_indices = #map}, {transform_indices = #map}, {transform_indices = #map1}]} {
    %mul3A = arith.constant 2 : i32
    %mul3A_0 = arith.muli %arg1, %mul3A : i32
    %add3A = arith.addi %mul3A_0, %arg0 : i32
    %mul3A_1 = arith.constant 128 : i32
    %mul3A_2 = arith.muli %add3A, %mul3A_1 : i32
    %mul3A_3 = arith.constant 1024 : i32
    %mul3A_4 = arith.muli %add3A, %mul3A_3 : i32
    %dma_start3A = tpu.memref_slice %arg2[%mul3A_4] : memref<32768xi32, #tpu.memory_space<hbm>> -> memref<1024xi32, #tpu.memory_space<hbm>>
    %dma_start3A_5 = tpu.memref_slice %arg2[%mul3A_4] : memref<32768xi32, #tpu.memory_space<hbm>> -> memref<1024xi32, #tpu.memory_space<hbm>>
    tpu.enqueue_dma source(%dma_start3A_5 : memref<1024xi32, #tpu.memory_space<hbm>>) target(%arg8 : memref<1024xi32, #tpu.memory_space<vmem>>) target_semaphore(%arg15 : memref<!tpu.dma_semaphore, #tpu.memory_space<semaphore_mem>>)
    %dma_start3A_6 = arith.constant 0 : i32
    %dma_start3A_7 = arith.constant 0 : i32
    %dma_start3A_8 = tpu.memref_slice %arg3[%dma_start3A_6, %dma_start3A_7] : memref<2x4096xf32, #tpu.memory_space<hbm>> -> memref<1x4096xf32, #tpu.memory_space<hbm>>
    %dma_start3A_9 = tpu.memref_squeeze %dma_start3A_8 : memref<1x4096xf32, #tpu.memory_space<hbm>> -> memref<4096xf32, #tpu.memory_space<hbm>>
    %dma_start3A_10 = arith.constant 0 : i32
    %dma_start3A_11 = tpu.memref_slice %arg3[%dma_start3A_6, %dma_start3A_10] : memref<2x4096xf32, #tpu.memory_space<hbm>> -> memref<1x4096xf32, #tpu.memory_space<hbm>>
    %dma_start3A_12 = tpu.memref_squeeze %dma_start3A_11 : memref<1x4096xf32, #tpu.memory_space<hbm>> -> memref<4096xf32, #tpu.memory_space<hbm>>
    tpu.enqueue_dma source(%dma_start3A_12 : memref<4096xf32, #tpu.memory_space<hbm>>) target(%arg9 : memref<4096xf32, #tpu.memory_space<vmem>>) target_semaphore(%arg15 : memref<!tpu.dma_semaphore, #tpu.memory_space<semaphore_mem>>)
    %dma_start3A_13 = arith.constant 1 : i32
    %dma_start3A_14 = arith.constant 0 : i32
    %dma_start3A_15 = tpu.memref_slice %arg3[%dma_start3A_13, %dma_start3A_14] : memref<2x4096xf32, #tpu.memory_space<hbm>> -> memref<1x4096xf32, #tpu.memory_space<hbm>>
    %dma_start3A_16 = tpu.memref_squeeze %dma_start3A_15 : memref<1x4096xf32, #tpu.memory_space<hbm>> -> memref<4096xf32, #tpu.memory_space<hbm>>
    %dma_start3A_17 = arith.constant 0 : i32
    %dma_start3A_18 = tpu.memref_slice %arg3[%dma_start3A_13, %dma_start3A_17] : memref<2x4096xf32, #tpu.memory_space<hbm>> -> memref<1x4096xf32, #tpu.memory_space<hbm>>
    %dma_start3A_19 = tpu.memref_squeeze %dma_start3A_18 : memref<1x4096xf32, #tpu.memory_space<hbm>> -> memref<4096xf32, #tpu.memory_space<hbm>>
    tpu.enqueue_dma source(%dma_start3A_19 : memref<4096xf32, #tpu.memory_space<hbm>>) target(%arg10 : memref<4096xf32, #tpu.memory_space<vmem>>) target_semaphore(%arg15 : memref<!tpu.dma_semaphore, #tpu.memory_space<semaphore_mem>>)
    %dma_start3A_20 = arith.constant 0 : i32
    %dma_start3A_21 = arith.constant 0 : i32
    %dma_start3A_22 = tpu.memref_slice %arg4[%dma_start3A_20, %dma_start3A_21] : memref<2x4096xf32, #tpu.memory_space<hbm>> -> memref<1x4096xf32, #tpu.memory_space<hbm>>
    %dma_start3A_23 = tpu.memref_squeeze %dma_start3A_22 : memref<1x4096xf32, #tpu.memory_space<hbm>> -> memref<4096xf32, #tpu.memory_space<hbm>>
    %dma_start3A_24 = arith.constant 0 : i32
    %dma_start3A_25 = tpu.memref_slice %arg4[%dma_start3A_20, %dma_start3A_24] : memref<2x4096xf32, #tpu.memory_space<hbm>> -> memref<1x4096xf32, #tpu.memory_space<hbm>>
    %dma_start3A_26 = tpu.memref_squeeze %dma_start3A_25 : memref<1x4096xf32, #tpu.memory_space<hbm>> -> memref<4096xf32, #tpu.memory_space<hbm>>
    tpu.enqueue_dma source(%dma_start3A_26 : memref<4096xf32, #tpu.memory_space<hbm>>) target(%arg11 : memref<4096xf32, #tpu.memory_space<vmem>>) target_semaphore(%arg15 : memref<!tpu.dma_semaphore, #tpu.memory_space<semaphore_mem>>)
    %dma_start3A_27 = arith.constant 1 : i32
    %dma_start3A_28 = arith.constant 0 : i32
    %dma_start3A_29 = tpu.memref_slice %arg4[%dma_start3A_27, %dma_start3A_28] : memref<2x4096xf32, #tpu.memory_space<hbm>> -> memref<1x4096xf32, #tpu.memory_space<hbm>>
    %dma_start3A_30 = tpu.memref_squeeze %dma_start3A_29 : memref<1x4096xf32, #tpu.memory_space<hbm>> -> memref<4096xf32, #tpu.memory_space<hbm>>
    %dma_start3A_31 = arith.constant 0 : i32
    %dma_start3A_32 = tpu.memref_slice %arg4[%dma_start3A_27, %dma_start3A_31] : memref<2x4096xf32, #tpu.memory_space<hbm>> -> memref<1x4096xf32, #tpu.memory_space<hbm>>
    %dma_start3A_33 = tpu.memref_squeeze %dma_start3A_32 : memref<1x4096xf32, #tpu.memory_space<hbm>> -> memref<4096xf32, #tpu.memory_space<hbm>>
    tpu.enqueue_dma source(%dma_start3A_33 : memref<4096xf32, #tpu.memory_space<hbm>>) target(%arg12 : memref<4096xf32, #tpu.memory_space<vmem>>) target_semaphore(%arg15 : memref<!tpu.dma_semaphore, #tpu.memory_space<semaphore_mem>>)
    %dma_start3A_34 = arith.constant 0 : i32
    %dma_start3A_35 = tpu.memref_slice %arg13[%dma_start3A_34] : memref<64xf32, #tpu.memory_space<vmem>> -> memref<48xf32, #tpu.memory_space<vmem>>
    %dma_start3A_36 = arith.constant 0 : i32
    %dma_start3A_37 = tpu.memref_slice %arg13[%dma_start3A_36] : memref<64xf32, #tpu.memory_space<vmem>> -> memref<48xf32, #tpu.memory_space<vmem>>
    tpu.enqueue_dma source(%arg5 : memref<48xf32, #tpu.memory_space<hbm>>) target(%dma_start3A_37 : memref<48xf32, #tpu.memory_space<vmem>>) target_semaphore(%arg15 : memref<!tpu.dma_semaphore, #tpu.memory_space<semaphore_mem>>)
    %dma_start3A_38 = arith.constant 48 : i32
    %dma_start3A_39 = tpu.memref_slice %arg13[%dma_start3A_38] : memref<64xf32, #tpu.memory_space<vmem>> -> memref<8xf32, #tpu.memory_space<vmem>>
    %dma_start3A_40 = arith.constant 48 : i32
    %dma_start3A_41 = tpu.memref_slice %arg13[%dma_start3A_40] : memref<64xf32, #tpu.memory_space<vmem>> -> memref<8xf32, #tpu.memory_space<vmem>>
    tpu.enqueue_dma source(%arg6 : memref<8xf32, #tpu.memory_space<hbm>>) target(%dma_start3A_41 : memref<8xf32, #tpu.memory_space<vmem>>) target_semaphore(%arg15 : memref<!tpu.dma_semaphore, #tpu.memory_space<semaphore_mem>>)
    %dma_wait3A = tpu.memref_slice %arg2[%mul3A_4] : memref<32768xi32, #tpu.memory_space<hbm>> -> memref<1024xi32, #tpu.memory_space<hbm>>
    %dma_wait3A_42 = tpu.memref_slice %arg2[%mul3A_4] : memref<32768xi32, #tpu.memory_space<hbm>> -> memref<1024xi32, #tpu.memory_space<hbm>>
    tpu.wait_dma2 semaphore(%arg15 : memref<!tpu.dma_semaphore, #tpu.memory_space<semaphore_mem>>) src(%dma_wait3A_42 : memref<1024xi32, #tpu.memory_space<hbm>>) dst(%arg8 : memref<1024xi32, #tpu.memory_space<vmem>>)
    %dma_wait3A_43 = arith.constant 0 : i32
    %dma_wait3A_44 = arith.constant 0 : i32
    %dma_wait3A_45 = tpu.memref_slice %arg3[%dma_wait3A_43, %dma_wait3A_44] : memref<2x4096xf32, #tpu.memory_space<hbm>> -> memref<1x4096xf32, #tpu.memory_space<hbm>>
    %dma_wait3A_46 = tpu.memref_squeeze %dma_wait3A_45 : memref<1x4096xf32, #tpu.memory_space<hbm>> -> memref<4096xf32, #tpu.memory_space<hbm>>
    %dma_wait3A_47 = arith.constant 0 : i32
    %dma_wait3A_48 = tpu.memref_slice %arg3[%dma_wait3A_43, %dma_wait3A_47] : memref<2x4096xf32, #tpu.memory_space<hbm>> -> memref<1x4096xf32, #tpu.memory_space<hbm>>
    %dma_wait3A_49 = tpu.memref_squeeze %dma_wait3A_48 : memref<1x4096xf32, #tpu.memory_space<hbm>> -> memref<4096xf32, #tpu.memory_space<hbm>>
    tpu.wait_dma2 semaphore(%arg15 : memref<!tpu.dma_semaphore, #tpu.memory_space<semaphore_mem>>) src(%dma_wait3A_49 : memref<4096xf32, #tpu.memory_space<hbm>>) dst(%arg9 : memref<4096xf32, #tpu.memory_space<vmem>>)
    %dma_wait3A_50 = arith.constant 1 : i32
    %dma_wait3A_51 = arith.constant 0 : i32
    %dma_wait3A_52 = tpu.memref_slice %arg3[%dma_wait3A_50, %dma_wait3A_51] : memref<2x4096xf32, #tpu.memory_space<hbm>> -> memref<1x4096xf32, #tpu.memory_space<hbm>>
    %dma_wait3A_53 = tpu.memref_squeeze %dma_wait3A_52 : memref<1x4096xf32, #tpu.memory_space<hbm>> -> memref<4096xf32, #tpu.memory_space<hbm>>
    %dma_wait3A_54 = arith.constant 0 : i32
    %dma_wait3A_55 = tpu.memref_slice %arg3[%dma_wait3A_50, %dma_wait3A_54] : memref<2x4096xf32, #tpu.memory_space<hbm>> -> memref<1x4096xf32, #tpu.memory_space<hbm>>
    %dma_wait3A_56 = tpu.memref_squeeze %dma_wait3A_55 : memref<1x4096xf32, #tpu.memory_space<hbm>> -> memref<4096xf32, #tpu.memory_space<hbm>>
    tpu.wait_dma2 semaphore(%arg15 : memref<!tpu.dma_semaphore, #tpu.memory_space<semaphore_mem>>) src(%dma_wait3A_56 : memref<4096xf32, #tpu.memory_space<hbm>>) dst(%arg10 : memref<4096xf32, #tpu.memory_space<vmem>>)
    %dma_wait3A_57 = arith.constant 0 : i32
    %dma_wait3A_58 = arith.constant 0 : i32
    %dma_wait3A_59 = tpu.memref_slice %arg4[%dma_wait3A_57, %dma_wait3A_58] : memref<2x4096xf32, #tpu.memory_space<hbm>> -> memref<1x4096xf32, #tpu.memory_space<hbm>>
    %dma_wait3A_60 = tpu.memref_squeeze %dma_wait3A_59 : memref<1x4096xf32, #tpu.memory_space<hbm>> -> memref<4096xf32, #tpu.memory_space<hbm>>
    %dma_wait3A_61 = arith.constant 0 : i32
    %dma_wait3A_62 = tpu.memref_slice %arg4[%dma_wait3A_57, %dma_wait3A_61] : memref<2x4096xf32, #tpu.memory_space<hbm>> -> memref<1x4096xf32, #tpu.memory_space<hbm>>
    %dma_wait3A_63 = tpu.memref_squeeze %dma_wait3A_62 : memref<1x4096xf32, #tpu.memory_space<hbm>> -> memref<4096xf32, #tpu.memory_space<hbm>>
    tpu.wait_dma2 semaphore(%arg15 : memref<!tpu.dma_semaphore, #tpu.memory_space<semaphore_mem>>) src(%dma_wait3A_63 : memref<4096xf32, #tpu.memory_space<hbm>>) dst(%arg11 : memref<4096xf32, #tpu.memory_space<vmem>>)
    %dma_wait3A_64 = arith.constant 1 : i32
    %dma_wait3A_65 = arith.constant 0 : i32
    %dma_wait3A_66 = tpu.memref_slice %arg4[%dma_wait3A_64, %dma_wait3A_65] : memref<2x4096xf32, #tpu.memory_space<hbm>> -> memref<1x4096xf32, #tpu.memory_space<hbm>>
    %dma_wait3A_67 = tpu.memref_squeeze %dma_wait3A_66 : memref<1x4096xf32, #tpu.memory_space<hbm>> -> memref<4096xf32, #tpu.memory_space<hbm>>
    %dma_wait3A_68 = arith.constant 0 : i32
    %dma_wait3A_69 = tpu.memref_slice %arg4[%dma_wait3A_64, %dma_wait3A_68] : memref<2x4096xf32, #tpu.memory_space<hbm>> -> memref<1x4096xf32, #tpu.memory_space<hbm>>
    %dma_wait3A_70 = tpu.memref_squeeze %dma_wait3A_69 : memref<1x4096xf32, #tpu.memory_space<hbm>> -> memref<4096xf32, #tpu.memory_space<hbm>>
    tpu.wait_dma2 semaphore(%arg15 : memref<!tpu.dma_semaphore, #tpu.memory_space<semaphore_mem>>) src(%dma_wait3A_70 : memref<4096xf32, #tpu.memory_space<hbm>>) dst(%arg12 : memref<4096xf32, #tpu.memory_space<vmem>>)
    %dma_wait3A_71 = arith.constant 0 : i32
    %dma_wait3A_72 = tpu.memref_slice %arg13[%dma_wait3A_71] : memref<64xf32, #tpu.memory_space<vmem>> -> memref<48xf32, #tpu.memory_space<vmem>>
    %dma_wait3A_73 = arith.constant 0 : i32
    %dma_wait3A_74 = tpu.memref_slice %arg13[%dma_wait3A_73] : memref<64xf32, #tpu.memory_space<vmem>> -> memref<48xf32, #tpu.memory_space<vmem>>
    tpu.wait_dma2 semaphore(%arg15 : memref<!tpu.dma_semaphore, #tpu.memory_space<semaphore_mem>>) src(%arg5 : memref<48xf32, #tpu.memory_space<hbm>>) dst(%dma_wait3A_74 : memref<48xf32, #tpu.memory_space<vmem>>)
    %dma_wait3A_75 = arith.constant 48 : i32
    %dma_wait3A_76 = tpu.memref_slice %arg13[%dma_wait3A_75] : memref<64xf32, #tpu.memory_space<vmem>> -> memref<8xf32, #tpu.memory_space<vmem>>
    %dma_wait3A_77 = arith.constant 48 : i32
    %dma_wait3A_78 = tpu.memref_slice %arg13[%dma_wait3A_77] : memref<64xf32, #tpu.memory_space<vmem>> -> memref<8xf32, #tpu.memory_space<vmem>>
    tpu.wait_dma2 semaphore(%arg15 : memref<!tpu.dma_semaphore, #tpu.memory_space<semaphore_mem>>) src(%arg6 : memref<8xf32, #tpu.memory_space<hbm>>) dst(%dma_wait3A_78 : memref<8xf32, #tpu.memory_space<vmem>>)
    %get3A = arith.constant 0 : index
    %get3A_79 = tpu.vector_load %arg13[%get3A] {strides = array<i32>} : memref<64xf32, #tpu.memory_space<vmem>>, vector<16xf32>,
    %get3A_80 = arith.constant 16 : index
    %get3A_81 = tpu.vector_load %arg13[%get3A_80] {strides = array<i32>} : memref<64xf32, #tpu.memory_space<vmem>>, vector<16xf32>,
    %get3A_82 = arith.constant 32 : index
    %get3A_83 = tpu.vector_load %arg13[%get3A_82] {strides = array<i32>} : memref<64xf32, #tpu.memory_space<vmem>>, vector<16xf32>,
    %get3A_84 = arith.constant 48 : index
    %get3A_85 = tpu.vector_load %arg13[%get3A_84] {strides = array<i32>} : memref<64xf32, #tpu.memory_space<vmem>>, vector<16xf32>,
    %slice3A = vector.extract_strided_slice %get3A_79 {offsets = [0], sizes = [1], strides = [1]} : vector<16xf32> to vector<1xf32>
    %squeeze3A = vector.extract %slice3A[0] : f32 from vector<1xf32>
    %slice3A_86 = vector.extract_strided_slice %get3A_79 {offsets = [1], sizes = [1], strides = [1]} : vector<16xf32> to vector<1xf32>
    %squeeze3A_87 = vector.extract %slice3A_86[0] : f32 from vector<1xf32>
    %slice3A_88 = vector.extract_strided_slice %get3A_79 {offsets = [2], sizes = [1], strides = [1]} : vector<16xf32> to vector<1xf32>
    %squeeze3A_89 = vector.extract %slice3A_88[0] : f32 from vector<1xf32>
    %slice3A_90 = vector.extract_strided_slice %get3A_79 {offsets = [3], sizes = [1], strides = [1]} : vector<16xf32> to vector<1xf32>
    %squeeze3A_91 = vector.extract %slice3A_90[0] : f32 from vector<1xf32>
    %slice3A_92 = vector.extract_strided_slice %get3A_79 {offsets = [4], sizes = [1], strides = [1]} : vector<16xf32> to vector<1xf32>
    %squeeze3A_93 = vector.extract %slice3A_92[0] : f32 from vector<1xf32>
    %slice3A_94 = vector.extract_strided_slice %get3A_79 {offsets = [5], sizes = [1], strides = [1]} : vector<16xf32> to vector<1xf32>
    %squeeze3A_95 = vector.extract %slice3A_94[0] : f32 from vector<1xf32>
    %slice3A_96 = vector.extract_strided_slice %get3A_79 {offsets = [6], sizes = [1], strides = [1]} : vector<16xf32> to vector<1xf32>
    %squeeze3A_97 = vector.extract %slice3A_96[0] : f32 from vector<1xf32>
    %slice3A_98 = vector.extract_strided_slice %get3A_79 {offsets = [7], sizes = [1], strides = [1]} : vector<16xf32> to vector<1xf32>
    %squeeze3A_99 = vector.extract %slice3A_98[0] : f32 from vector<1xf32>
    %slice3A_100 = vector.extract_strided_slice %get3A_79 {offsets = [8], sizes = [1], strides = [1]} : vector<16xf32> to vector<1xf32>
    %squeeze3A_101 = vector.extract %slice3A_100[0] : f32 from vector<1xf32>
    %slice3A_102 = vector.extract_strided_slice %get3A_79 {offsets = [9], sizes = [1], strides = [1]} : vector<16xf32> to vector<1xf32>
    %squeeze3A_103 = vector.extract %slice3A_102[0] : f32 from vector<1xf32>
    %slice3A_104 = vector.extract_strided_slice %get3A_79 {offsets = [10], sizes = [1], strides = [1]} : vector<16xf32> to vector<1xf32>
    %squeeze3A_105 = vector.extract %slice3A_104[0] : f32 from vector<1xf32>
    %slice3A_106 = vector.extract_strided_slice %get3A_79 {offsets = [11], sizes = [1], strides = [1]} : vector<16xf32> to vector<1xf32>
    %squeeze3A_107 = vector.extract %slice3A_106[0] : f32 from vector<1xf32>
    %slice3A_108 = vector.extract_strided_slice %get3A_79 {offsets = [12], sizes = [1], strides = [1]} : vector<16xf32> to vector<1xf32>
    %squeeze3A_109 = vector.extract %slice3A_108[0] : f32 from vector<1xf32>
    %slice3A_110 = vector.extract_strided_slice %get3A_79 {offsets = [13], sizes = [1], strides = [1]} : vector<16xf32> to vector<1xf32>
    %squeeze3A_111 = vector.extract %slice3A_110[0] : f32 from vector<1xf32>
    %slice3A_112 = vector.extract_strided_slice %get3A_79 {offsets = [14], sizes = [1], strides = [1]} : vector<16xf32> to vector<1xf32>
    %squeeze3A_113 = vector.extract %slice3A_112[0] : f32 from vector<1xf32>
    %slice3A_114 = vector.extract_strided_slice %get3A_79 {offsets = [15], sizes = [1], strides = [1]} : vector<16xf32> to vector<1xf32>
    %squeeze3A_115 = vector.extract %slice3A_114[0] : f32 from vector<1xf32>
    %slice3A_116 = vector.extract_strided_slice %get3A_81 {offsets = [8], sizes = [1], strides = [1]} : vector<16xf32> to vector<1xf32>
    %squeeze3A_117 = vector.extract %slice3A_116[0] : f32 from vector<1xf32>
    %slice3A_118 = vector.extract_strided_slice %get3A_81 {offsets = [9], sizes = [1], strides = [1]} : vector<16xf32> to vector<1xf32>
    %squeeze3A_119 = vector.extract %slice3A_118[0] : f32 from vector<1xf32>
    %slice3A_120 = vector.extract_strided_slice %get3A_81 {offsets = [10], sizes = [1], strides = [1]} : vector<16xf32> to vector<1xf32>
    %squeeze3A_121 = vector.extract %slice3A_120[0] : f32 from vector<1xf32>
    %slice3A_122 = vector.extract_strided_slice %get3A_81 {offsets = [11], sizes = [1], strides = [1]} : vector<16xf32> to vector<1xf32>
    %squeeze3A_123 = vector.extract %slice3A_122[0] : f32 from vector<1xf32>
    %slice3A_124 = vector.extract_strided_slice %get3A_81 {offsets = [12], sizes = [1], strides = [1]} : vector<16xf32> to vector<1xf32>
    %squeeze3A_125 = vector.extract %slice3A_124[0] : f32 from vector<1xf32>
    %slice3A_126 = vector.extract_strided_slice %get3A_81 {offsets = [13], sizes = [1], strides = [1]} : vector<16xf32> to vector<1xf32>
    %squeeze3A_127 = vector.extract %slice3A_126[0] : f32 from vector<1xf32>
    %slice3A_128 = vector.extract_strided_slice %get3A_81 {offsets = [14], sizes = [1], strides = [1]} : vector<16xf32> to vector<1xf32>
    %squeeze3A_129 = vector.extract %slice3A_128[0] : f32 from vector<1xf32>
    %slice3A_130 = vector.extract_strided_slice %get3A_81 {offsets = [15], sizes = [1], strides = [1]} : vector<16xf32> to vector<1xf32>
    %squeeze3A_131 = vector.extract %slice3A_130[0] : f32 from vector<1xf32>
    %slice3A_132 = vector.extract_strided_slice %get3A_83 {offsets = [0], sizes = [1], strides = [1]} : vector<16xf32> to vector<1xf32>
    %squeeze3A_133 = vector.extract %slice3A_132[0] : f32 from vector<1xf32>
    %slice3A_134 = vector.extract_strided_slice %get3A_83 {offsets = [1], sizes = [1], strides = [1]} : vector<16xf32> to vector<1xf32>
    %squeeze3A_135 = vector.extract %slice3A_134[0] : f32 from vector<1xf32>
    %slice3A_136 = vector.extract_strided_slice %get3A_83 {offsets = [2], sizes = [1], strides = [1]} : vector<16xf32> to vector<1xf32>
    %squeeze3A_137 = vector.extract %slice3A_136[0] : f32 from vector<1xf32>
    %slice3A_138 = vector.extract_strided_slice %get3A_83 {offsets = [3], sizes = [1], strides = [1]} : vector<16xf32> to vector<1xf32>
    %squeeze3A_139 = vector.extract %slice3A_138[0] : f32 from vector<1xf32>
    %slice3A_140 = vector.extract_strided_slice %get3A_83 {offsets = [4], sizes = [1], strides = [1]} : vector<16xf32> to vector<1xf32>
    %squeeze3A_141 = vector.extract %slice3A_140[0] : f32 from vector<1xf32>
    %slice3A_142 = vector.extract_strided_slice %get3A_83 {offsets = [5], sizes = [1], strides = [1]} : vector<16xf32> to vector<1xf32>
    %squeeze3A_143 = vector.extract %slice3A_142[0] : f32 from vector<1xf32>
    %slice3A_144 = vector.extract_strided_slice %get3A_83 {offsets = [6], sizes = [1], strides = [1]} : vector<16xf32> to vector<1xf32>
    %squeeze3A_145 = vector.extract %slice3A_144[0] : f32 from vector<1xf32>
    %slice3A_146 = vector.extract_strided_slice %get3A_83 {offsets = [7], sizes = [1], strides = [1]} : vector<16xf32> to vector<1xf32>
    %squeeze3A_147 = vector.extract %slice3A_146[0] : f32 from vector<1xf32>
    %slice3A_148 = vector.extract_strided_slice %get3A_81 {offsets = [0], sizes = [1], strides = [1]} : vector<16xf32> to vector<1xf32>
    %squeeze3A_149 = vector.extract %slice3A_148[0] : f32 from vector<1xf32>
    %slice3A_150 = vector.extract_strided_slice %get3A_83 {offsets = [8], sizes = [1], strides = [1]} : vector<16xf32> to vector<1xf32>
    %squeeze3A_151 = vector.extract %slice3A_150[0] : f32 from vector<1xf32>
    %add3A_152 = arith.addf %squeeze3A_149, %squeeze3A_151 : f32
    %slice3A_153 = vector.extract_strided_slice %get3A_85 {offsets = [0], sizes = [1], strides = [1]} : vector<16xf32> to vector<1xf32>
    %squeeze3A_154 = vector.extract %slice3A_153[0] : f32 from vector<1xf32>
    %add3A_155 = arith.addf %add3A_152, %squeeze3A_154 : f32
    %slice3A_156 = vector.extract_strided_slice %get3A_81 {offsets = [1], sizes = [1], strides = [1]} : vector<16xf32> to vector<1xf32>
    %squeeze3A_157 = vector.extract %slice3A_156[0] : f32 from vector<1xf32>
    %slice3A_158 = vector.extract_strided_slice %get3A_83 {offsets = [9], sizes = [1], strides = [1]} : vector<16xf32> to vector<1xf32>
    %squeeze3A_159 = vector.extract %slice3A_158[0] : f32 from vector<1xf32>
    %add3A_160 = arith.addf %squeeze3A_157, %squeeze3A_159 : f32
    %slice3A_161 = vector.extract_strided_slice %get3A_85 {offsets = [1], sizes = [1], strides = [1]} : vector<16xf32> to vector<1xf32>
    %squeeze3A_162 = vector.extract %slice3A_161[0] : f32 from vector<1xf32>
    %add3A_163 = arith.addf %add3A_160, %squeeze3A_162 : f32
    %slice3A_164 = vector.extract_strided_slice %get3A_81 {offsets = [2], sizes = [1], strides = [1]} : vector<16xf32> to vector<1xf32>
    %squeeze3A_165 = vector.extract %slice3A_164[0] : f32 from vector<1xf32>
    %slice3A_166 = vector.extract_strided_slice %get3A_83 {offsets = [10], sizes = [1], strides = [1]} : vector<16xf32> to vector<1xf32>
    %squeeze3A_167 = vector.extract %slice3A_166[0] : f32 from vector<1xf32>
    %add3A_168 = arith.addf %squeeze3A_165, %squeeze3A_167 : f32
    %slice3A_169 = vector.extract_strided_slice %get3A_85 {offsets = [2], sizes = [1], strides = [1]} : vector<16xf32> to vector<1xf32>
    %squeeze3A_170 = vector.extract %slice3A_169[0] : f32 from vector<1xf32>
    %add3A_171 = arith.addf %add3A_168, %squeeze3A_170 : f32
    %slice3A_172 = vector.extract_strided_slice %get3A_81 {offsets = [3], sizes = [1], strides = [1]} : vector<16xf32> to vector<1xf32>
    %squeeze3A_173 = vector.extract %slice3A_172[0] : f32 from vector<1xf32>
    %slice3A_174 = vector.extract_strided_slice %get3A_83 {offsets = [11], sizes = [1], strides = [1]} : vector<16xf32> to vector<1xf32>
    %squeeze3A_175 = vector.extract %slice3A_174[0] : f32 from vector<1xf32>
    %add3A_176 = arith.addf %squeeze3A_173, %squeeze3A_175 : f32
    %slice3A_177 = vector.extract_strided_slice %get3A_85 {offsets = [3], sizes = [1], strides = [1]} : vector<16xf32> to vector<1xf32>
    %squeeze3A_178 = vector.extract %slice3A_177[0] : f32 from vector<1xf32>
    %add3A_179 = arith.addf %add3A_176, %squeeze3A_178 : f32
    %slice3A_180 = vector.extract_strided_slice %get3A_81 {offsets = [4], sizes = [1], strides = [1]} : vector<16xf32> to vector<1xf32>
    %squeeze3A_181 = vector.extract %slice3A_180[0] : f32 from vector<1xf32>
    %slice3A_182 = vector.extract_strided_slice %get3A_83 {offsets = [12], sizes = [1], strides = [1]} : vector<16xf32> to vector<1xf32>
    %squeeze3A_183 = vector.extract %slice3A_182[0] : f32 from vector<1xf32>
    %add3A_184 = arith.addf %squeeze3A_181, %squeeze3A_183 : f32
    %slice3A_185 = vector.extract_strided_slice %get3A_85 {offsets = [4], sizes = [1], strides = [1]} : vector<16xf32> to vector<1xf32>
    %squeeze3A_186 = vector.extract %slice3A_185[0] : f32 from vector<1xf32>
    %add3A_187 = arith.addf %add3A_184, %squeeze3A_186 : f32
    %slice3A_188 = vector.extract_strided_slice %get3A_81 {offsets = [5], sizes = [1], strides = [1]} : vector<16xf32> to vector<1xf32>
    %squeeze3A_189 = vector.extract %slice3A_188[0] : f32 from vector<1xf32>
    %slice3A_190 = vector.extract_strided_slice %get3A_83 {offsets = [13], sizes = [1], strides = [1]} : vector<16xf32> to vector<1xf32>
    %squeeze3A_191 = vector.extract %slice3A_190[0] : f32 from vector<1xf32>
    %add3A_192 = arith.addf %squeeze3A_189, %squeeze3A_191 : f32
    %slice3A_193 = vector.extract_strided_slice %get3A_85 {offsets = [5], sizes = [1], strides = [1]} : vector<16xf32> to vector<1xf32>
    %squeeze3A_194 = vector.extract %slice3A_193[0] : f32 from vector<1xf32>
    %add3A_195 = arith.addf %add3A_192, %squeeze3A_194 : f32
    %slice3A_196 = vector.extract_strided_slice %get3A_81 {offsets = [6], sizes = [1], strides = [1]} : vector<16xf32> to vector<1xf32>
    %squeeze3A_197 = vector.extract %slice3A_196[0] : f32 from vector<1xf32>
    %slice3A_198 = vector.extract_strided_slice %get3A_83 {offsets = [14], sizes = [1], strides = [1]} : vector<16xf32> to vector<1xf32>
    %squeeze3A_199 = vector.extract %slice3A_198[0] : f32 from vector<1xf32>
    %add3A_200 = arith.addf %squeeze3A_197, %squeeze3A_199 : f32
    %slice3A_201 = vector.extract_strided_slice %get3A_85 {offsets = [6], sizes = [1], strides = [1]} : vector<16xf32> to vector<1xf32>
    %squeeze3A_202 = vector.extract %slice3A_201[0] : f32 from vector<1xf32>
    %add3A_203 = arith.addf %add3A_200, %squeeze3A_202 : f32
    %slice3A_204 = vector.extract_strided_slice %get3A_81 {offsets = [7], sizes = [1], strides = [1]} : vector<16xf32> to vector<1xf32>
    %squeeze3A_205 = vector.extract %slice3A_204[0] : f32 from vector<1xf32>
    %slice3A_206 = vector.extract_strided_slice %get3A_83 {offsets = [15], sizes = [1], strides = [1]} : vector<16xf32> to vector<1xf32>
    %squeeze3A_207 = vector.extract %slice3A_206[0] : f32 from vector<1xf32>
    %add3A_208 = arith.addf %squeeze3A_205, %squeeze3A_207 : f32
    %slice3A_209 = vector.extract_strided_slice %get3A_85 {offsets = [7], sizes = [1], strides = [1]} : vector<16xf32> to vector<1xf32>
    %squeeze3A_210 = vector.extract %slice3A_209[0] : f32 from vector<1xf32>
    %add3A_211 = arith.addf %add3A_208, %squeeze3A_210 : f32
    %iota3A = tpu.iota {dimensions = array<i32: 0>} : vector<16xi32>
    %shift_right_logical3A = arith.constant 3 : i32
    %shift_right_logical3A_212 = vector.broadcast %shift_right_logical3A : i32 to vector<16xi32>
    %shift_right_logical3A_213 = arith.shrui %iota3A, %shift_right_logical3A_212 : vector<16xi32>
    %and3A = arith.constant 7 : i32
    %and3A_214 = vector.broadcast %and3A : i32 to vector<16xi32>
    %and3A_215 = arith.andi %iota3A, %and3A_214 : vector<16xi32>
    %mul3A_216 = arith.constant 8 : i32
    %mul3A_217 = vector.broadcast %mul3A_216 : i32 to vector<16xi32>
    %mul3A_218 = arith.muli %and3A_215, %mul3A_217 : vector<16xi32>
    %add3A_219 = vector.broadcast %mul3A_2 : i32 to vector<16xi32>
    %add3A_220 = arith.addi %shift_right_logical3A_213, %add3A_219 : vector<16xi32>
    %parallel_loop3A = arith.constant 0 : i32
    %parallel_loop3A_221 = arith.constant 64 : i32
    %parallel_loop3A_222 = arith.constant 1 : i32
    scf.for %parallel_loop3A_223 = %parallel_loop3A to %parallel_loop3A_221 step %parallel_loop3A_222  : i32 {
      %parallel_loop3A_224 = arith.constant 16 : i32
      %parallel_loop3A_225 = arith.muli %parallel_loop3A_223, %parallel_loop3A_224 : i32
      %parallel_loop3A_226 = arith.constant 2 : i32
      %parallel_loop3A_227 = arith.muli %parallel_loop3A_223, %parallel_loop3A_226 : i32
      %parallel_loop3A_228 = arith.index_cast %parallel_loop3A_225 : i32 to index
      %parallel_loop3A_229 = tpu.vector_load %arg8[%parallel_loop3A_228] {strides = array<i32>} : memref<1024xi32, #tpu.memory_space<vmem>>, vector<16xi32>,
      %parallel_loop3A_230 = vector.broadcast %parallel_loop3A_227 : i32 to vector<16xi32>
      %parallel_loop3A_231 = arith.addi %add3A_220, %parallel_loop3A_230 : vector<16xi32>
      %parallel_loop3A_232 = tpu.vector_load_idx %arg9[%parallel_loop3A_229] : memref<4096xf32, #tpu.memory_space<vmem>>[vector<16xi32>], vector<16xf32>,
      %parallel_loop3A_233 = tpu.vector_load_idx %arg10[%parallel_loop3A_229] : memref<4096xf32, #tpu.memory_space<vmem>>[vector<16xi32>], vector<16xf32>,
      %parallel_loop3A_234 = tpu.vector_load_idx %arg9[%parallel_loop3A_231] : memref<4096xf32, #tpu.memory_space<vmem>>[vector<16xi32>], vector<16xf32>,
      %parallel_loop3A_235 = tpu.vector_load_idx %arg10[%parallel_loop3A_231] : memref<4096xf32, #tpu.memory_space<vmem>>[vector<16xi32>], vector<16xf32>,
      %parallel_loop3A_236 = tpu.vector_load_idx %arg11[%parallel_loop3A_229] : memref<4096xf32, #tpu.memory_space<vmem>>[vector<16xi32>], vector<16xf32>,
      %parallel_loop3A_237 = tpu.vector_load_idx %arg12[%parallel_loop3A_229] : memref<4096xf32, #tpu.memory_space<vmem>>[vector<16xi32>], vector<16xf32>,
      %parallel_loop3A_238 = tpu.vector_load_idx %arg11[%parallel_loop3A_231] : memref<4096xf32, #tpu.memory_space<vmem>>[vector<16xi32>], vector<16xf32>,
      %parallel_loop3A_239 = tpu.vector_load_idx %arg12[%parallel_loop3A_231] : memref<4096xf32, #tpu.memory_space<vmem>>[vector<16xi32>], vector<16xf32>,
      %parallel_loop3A_240 = arith.subf %parallel_loop3A_232, %parallel_loop3A_234 : vector<16xf32>
      %parallel_loop3A_241 = arith.subf %parallel_loop3A_233, %parallel_loop3A_235 : vector<16xf32>
      %parallel_loop3A_242 = arith.subf %parallel_loop3A_236, %parallel_loop3A_238 : vector<16xf32>
      %parallel_loop3A_243 = arith.subf %parallel_loop3A_237, %parallel_loop3A_239 : vector<16xf32>
      %parallel_loop3A_244 = vector.broadcast %parallel_loop3A_227 : i32 to vector<16xi32>
      %parallel_loop3A_245 = arith.addi %shift_right_logical3A_213, %parallel_loop3A_244 : vector<16xi32>
      %parallel_loop3A_246 = vector.broadcast %squeeze3A : f32 to vector<16xf32>
      %parallel_loop3A_247 = arith.mulf %parallel_loop3A_240, %parallel_loop3A_246 : vector<16xf32>
      %parallel_loop3A_248 = vector.broadcast %squeeze3A_101 : f32 to vector<16xf32>
      %parallel_loop3A_249 = arith.mulf %parallel_loop3A_241, %parallel_loop3A_248 : vector<16xf32>
      %parallel_loop3A_250 = arith.addf %parallel_loop3A_247, %parallel_loop3A_249 : vector<16xf32>
      %parallel_loop3A_251 = vector.broadcast %squeeze3A_117 : f32 to vector<16xf32>
      %parallel_loop3A_252 = arith.mulf %parallel_loop3A_242, %parallel_loop3A_251 : vector<16xf32>
      %parallel_loop3A_253 = arith.addf %parallel_loop3A_250, %parallel_loop3A_252 : vector<16xf32>
      %parallel_loop3A_254 = vector.broadcast %squeeze3A_133 : f32 to vector<16xf32>
      %parallel_loop3A_255 = arith.mulf %parallel_loop3A_243, %parallel_loop3A_254 : vector<16xf32>
      %parallel_loop3A_256 = arith.addf %parallel_loop3A_253, %parallel_loop3A_255 : vector<16xf32>
      %parallel_loop3A_257 = vector.broadcast %add3A_155 : f32 to vector<16xf32>
      %parallel_loop3A_258 = arith.addf %parallel_loop3A_256, %parallel_loop3A_257 : vector<16xf32>
      %parallel_loop3A_259 = arith.constant 0.000000e+00 : f32
      %parallel_loop3A_260 = vector.broadcast %parallel_loop3A_259 : f32 to vector<16xf32>
      %parallel_loop3A_261 = arith.maximumf %parallel_loop3A_258, %parallel_loop3A_260 : vector<16xf32>
      %parallel_loop3A_262 = arith.constant 0 : i32
      %parallel_loop3A_263 = vector.broadcast %parallel_loop3A_262 : i32 to vector<16xi32>
      %parallel_loop3A_264 = arith.addi %mul3A_218, %parallel_loop3A_263 : vector<16xi32>
      tpu.vector_store_idx %arg14[%parallel_loop3A_245, %parallel_loop3A_264], %parallel_loop3A_261 : memref<128x64xf32, #tpu.memory_space<vmem>>[vector<16xi32>, vector<16xi32>], vector<16xf32>,
      %parallel_loop3A_265 = vector.broadcast %squeeze3A_87 : f32 to vector<16xf32>
      %parallel_loop3A_266 = arith.mulf %parallel_loop3A_240, %parallel_loop3A_265 : vector<16xf32>
      %parallel_loop3A_267 = vector.broadcast %squeeze3A_103 : f32 to vector<16xf32>
      %parallel_loop3A_268 = arith.mulf %parallel_loop3A_241, %parallel_loop3A_267 : vector<16xf32>
      %parallel_loop3A_269 = arith.addf %parallel_loop3A_266, %parallel_loop3A_268 : vector<16xf32>
      %parallel_loop3A_270 = vector.broadcast %squeeze3A_119 : f32 to vector<16xf32>
      %parallel_loop3A_271 = arith.mulf %parallel_loop3A_242, %parallel_loop3A_270 : vector<16xf32>
      %parallel_loop3A_272 = arith.addf %parallel_loop3A_269, %parallel_loop3A_271 : vector<16xf32>
      %parallel_loop3A_273 = vector.broadcast %squeeze3A_135 : f32 to vector<16xf32>
      %parallel_loop3A_274 = arith.mulf %parallel_loop3A_243, %parallel_loop3A_273 : vector<16xf32>
      %parallel_loop3A_275 = arith.addf %parallel_loop3A_272, %parallel_loop3A_274 : vector<16xf32>
      %parallel_loop3A_276 = vector.broadcast %add3A_163 : f32 to vector<16xf32>
      %parallel_loop3A_277 = arith.addf %parallel_loop3A_275, %parallel_loop3A_276 : vector<16xf32>
      %parallel_loop3A_278 = arith.constant 0.000000e+00 : f32
      %parallel_loop3A_279 = vector.broadcast %parallel_loop3A_278 : f32 to vector<16xf32>
      %parallel_loop3A_280 = arith.maximumf %parallel_loop3A_277, %parallel_loop3A_279 : vector<16xf32>
      %parallel_loop3A_281 = arith.constant 1 : i32
      %parallel_loop3A_282 = vector.broadcast %parallel_loop3A_281 : i32 to vector<16xi32>
      %parallel_loop3A_283 = arith.addi %mul3A_218, %parallel_loop3A_282 : vector<16xi32>
      tpu.vector_store_idx %arg14[%parallel_loop3A_245, %parallel_loop3A_283], %parallel_loop3A_280 : memref<128x64xf32, #tpu.memory_space<vmem>>[vector<16xi32>, vector<16xi32>], vector<16xf32>,
      %parallel_loop3A_284 = vector.broadcast %squeeze3A_89 : f32 to vector<16xf32>
      %parallel_loop3A_285 = arith.mulf %parallel_loop3A_240, %parallel_loop3A_284 : vector<16xf32>
      %parallel_loop3A_286 = vector.broadcast %squeeze3A_105 : f32 to vector<16xf32>
      %parallel_loop3A_287 = arith.mulf %parallel_loop3A_241, %parallel_loop3A_286 : vector<16xf32>
      %parallel_loop3A_288 = arith.addf %parallel_loop3A_285, %parallel_loop3A_287 : vector<16xf32>
      %parallel_loop3A_289 = vector.broadcast %squeeze3A_121 : f32 to vector<16xf32>
      %parallel_loop3A_290 = arith.mulf %parallel_loop3A_242, %parallel_loop3A_289 : vector<16xf32>
      %parallel_loop3A_291 = arith.addf %parallel_loop3A_288, %parallel_loop3A_290 : vector<16xf32>
      %parallel_loop3A_292 = vector.broadcast %squeeze3A_137 : f32 to vector<16xf32>
      %parallel_loop3A_293 = arith.mulf %parallel_loop3A_243, %parallel_loop3A_292 : vector<16xf32>
      %parallel_loop3A_294 = arith.addf %parallel_loop3A_291, %parallel_loop3A_293 : vector<16xf32>
      %parallel_loop3A_295 = vector.broadcast %add3A_171 : f32 to vector<16xf32>
      %parallel_loop3A_296 = arith.addf %parallel_loop3A_294, %parallel_loop3A_295 : vector<16xf32>
      %parallel_loop3A_297 = arith.constant 0.000000e+00 : f32
      %parallel_loop3A_298 = vector.broadcast %parallel_loop3A_297 : f32 to vector<16xf32>
      %parallel_loop3A_299 = arith.maximumf %parallel_loop3A_296, %parallel_loop3A_298 : vector<16xf32>
      %parallel_loop3A_300 = arith.constant 2 : i32
      %parallel_loop3A_301 = vector.broadcast %parallel_loop3A_300 : i32 to vector<16xi32>
      %parallel_loop3A_302 = arith.addi %mul3A_218, %parallel_loop3A_301 : vector<16xi32>
      tpu.vector_store_idx %arg14[%parallel_loop3A_245, %parallel_loop3A_302], %parallel_loop3A_299 : memref<128x64xf32, #tpu.memory_space<vmem>>[vector<16xi32>, vector<16xi32>], vector<16xf32>,
      %parallel_loop3A_303 = vector.broadcast %squeeze3A_91 : f32 to vector<16xf32>
      %parallel_loop3A_304 = arith.mulf %parallel_loop3A_240, %parallel_loop3A_303 : vector<16xf32>
      %parallel_loop3A_305 = vector.broadcast %squeeze3A_107 : f32 to vector<16xf32>
      %parallel_loop3A_306 = arith.mulf %parallel_loop3A_241, %parallel_loop3A_305 : vector<16xf32>
      %parallel_loop3A_307 = arith.addf %parallel_loop3A_304, %parallel_loop3A_306 : vector<16xf32>
      %parallel_loop3A_308 = vector.broadcast %squeeze3A_123 : f32 to vector<16xf32>
      %parallel_loop3A_309 = arith.mulf %parallel_loop3A_242, %parallel_loop3A_308 : vector<16xf32>
      %parallel_loop3A_310 = arith.addf %parallel_loop3A_307, %parallel_loop3A_309 : vector<16xf32>
      %parallel_loop3A_311 = vector.broadcast %squeeze3A_139 : f32 to vector<16xf32>
      %parallel_loop3A_312 = arith.mulf %parallel_loop3A_243, %parallel_loop3A_311 : vector<16xf32>
      %parallel_loop3A_313 = arith.addf %parallel_loop3A_310, %parallel_loop3A_312 : vector<16xf32>
      %parallel_loop3A_314 = vector.broadcast %add3A_179 : f32 to vector<16xf32>
      %parallel_loop3A_315 = arith.addf %parallel_loop3A_313, %parallel_loop3A_314 : vector<16xf32>
      %parallel_loop3A_316 = arith.constant 0.000000e+00 : f32
      %parallel_loop3A_317 = vector.broadcast %parallel_loop3A_316 : f32 to vector<16xf32>
      %parallel_loop3A_318 = arith.maximumf %parallel_loop3A_315, %parallel_loop3A_317 : vector<16xf32>
      %parallel_loop3A_319 = arith.constant 3 : i32
      %parallel_loop3A_320 = vector.broadcast %parallel_loop3A_319 : i32 to vector<16xi32>
      %parallel_loop3A_321 = arith.addi %mul3A_218, %parallel_loop3A_320 : vector<16xi32>
      tpu.vector_store_idx %arg14[%parallel_loop3A_245, %parallel_loop3A_321], %parallel_loop3A_318 : memref<128x64xf32, #tpu.memory_space<vmem>>[vector<16xi32>, vector<16xi32>], vector<16xf32>,
      %parallel_loop3A_322 = vector.broadcast %squeeze3A_93 : f32 to vector<16xf32>
      %parallel_loop3A_323 = arith.mulf %parallel_loop3A_240, %parallel_loop3A_322 : vector<16xf32>
      %parallel_loop3A_324 = vector.broadcast %squeeze3A_109 : f32 to vector<16xf32>
      %parallel_loop3A_325 = arith.mulf %parallel_loop3A_241, %parallel_loop3A_324 : vector<16xf32>
      %parallel_loop3A_326 = arith.addf %parallel_loop3A_323, %parallel_loop3A_325 : vector<16xf32>
      %parallel_loop3A_327 = vector.broadcast %squeeze3A_125 : f32 to vector<16xf32>
      %parallel_loop3A_328 = arith.mulf %parallel_loop3A_242, %parallel_loop3A_327 : vector<16xf32>
      %parallel_loop3A_329 = arith.addf %parallel_loop3A_326, %parallel_loop3A_328 : vector<16xf32>
      %parallel_loop3A_330 = vector.broadcast %squeeze3A_141 : f32 to vector<16xf32>
      %parallel_loop3A_331 = arith.mulf %parallel_loop3A_243, %parallel_loop3A_330 : vector<16xf32>
      %parallel_loop3A_332 = arith.addf %parallel_loop3A_329, %parallel_loop3A_331 : vector<16xf32>
      %parallel_loop3A_333 = vector.broadcast %add3A_187 : f32 to vector<16xf32>
      %parallel_loop3A_334 = arith.addf %parallel_loop3A_332, %parallel_loop3A_333 : vector<16xf32>
      %parallel_loop3A_335 = arith.constant 0.000000e+00 : f32
      %parallel_loop3A_336 = vector.broadcast %parallel_loop3A_335 : f32 to vector<16xf32>
      %parallel_loop3A_337 = arith.maximumf %parallel_loop3A_334, %parallel_loop3A_336 : vector<16xf32>
      %parallel_loop3A_338 = arith.constant 4 : i32
      %parallel_loop3A_339 = vector.broadcast %parallel_loop3A_338 : i32 to vector<16xi32>
      %parallel_loop3A_340 = arith.addi %mul3A_218, %parallel_loop3A_339 : vector<16xi32>
      tpu.vector_store_idx %arg14[%parallel_loop3A_245, %parallel_loop3A_340], %parallel_loop3A_337 : memref<128x64xf32, #tpu.memory_space<vmem>>[vector<16xi32>, vector<16xi32>], vector<16xf32>,
      %parallel_loop3A_341 = vector.broadcast %squeeze3A_95 : f32 to vector<16xf32>
      %parallel_loop3A_342 = arith.mulf %parallel_loop3A_240, %parallel_loop3A_341 : vector<16xf32>
      %parallel_loop3A_343 = vector.broadcast %squeeze3A_111 : f32 to vector<16xf32>
      %parallel_loop3A_344 = arith.mulf %parallel_loop3A_241, %parallel_loop3A_343 : vector<16xf32>
      %parallel_loop3A_345 = arith.addf %parallel_loop3A_342, %parallel_loop3A_344 : vector<16xf32>
      %parallel_loop3A_346 = vector.broadcast %squeeze3A_127 : f32 to vector<16xf32>
      %parallel_loop3A_347 = arith.mulf %parallel_loop3A_242, %parallel_loop3A_346 : vector<16xf32>
      %parallel_loop3A_348 = arith.addf %parallel_loop3A_345, %parallel_loop3A_347 : vector<16xf32>
      %parallel_loop3A_349 = vector.broadcast %squeeze3A_143 : f32 to vector<16xf32>
      %parallel_loop3A_350 = arith.mulf %parallel_loop3A_243, %parallel_loop3A_349 : vector<16xf32>
      %parallel_loop3A_351 = arith.addf %parallel_loop3A_348, %parallel_loop3A_350 : vector<16xf32>
      %parallel_loop3A_352 = vector.broadcast %add3A_195 : f32 to vector<16xf32>
      %parallel_loop3A_353 = arith.addf %parallel_loop3A_351, %parallel_loop3A_352 : vector<16xf32>
      %parallel_loop3A_354 = arith.constant 0.000000e+00 : f32
      %parallel_loop3A_355 = vector.broadcast %parallel_loop3A_354 : f32 to vector<16xf32>
      %parallel_loop3A_356 = arith.maximumf %parallel_loop3A_353, %parallel_loop3A_355 : vector<16xf32>
      %parallel_loop3A_357 = arith.constant 5 : i32
      %parallel_loop3A_358 = vector.broadcast %parallel_loop3A_357 : i32 to vector<16xi32>
      %parallel_loop3A_359 = arith.addi %mul3A_218, %parallel_loop3A_358 : vector<16xi32>
      tpu.vector_store_idx %arg14[%parallel_loop3A_245, %parallel_loop3A_359], %parallel_loop3A_356 : memref<128x64xf32, #tpu.memory_space<vmem>>[vector<16xi32>, vector<16xi32>], vector<16xf32>,
      %parallel_loop3A_360 = vector.broadcast %squeeze3A_97 : f32 to vector<16xf32>
      %parallel_loop3A_361 = arith.mulf %parallel_loop3A_240, %parallel_loop3A_360 : vector<16xf32>
      %parallel_loop3A_362 = vector.broadcast %squeeze3A_113 : f32 to vector<16xf32>
      %parallel_loop3A_363 = arith.mulf %parallel_loop3A_241, %parallel_loop3A_362 : vector<16xf32>
      %parallel_loop3A_364 = arith.addf %parallel_loop3A_361, %parallel_loop3A_363 : vector<16xf32>
      %parallel_loop3A_365 = vector.broadcast %squeeze3A_129 : f32 to vector<16xf32>
      %parallel_loop3A_366 = arith.mulf %parallel_loop3A_242, %parallel_loop3A_365 : vector<16xf32>
      %parallel_loop3A_367 = arith.addf %parallel_loop3A_364, %parallel_loop3A_366 : vector<16xf32>
      %parallel_loop3A_368 = vector.broadcast %squeeze3A_145 : f32 to vector<16xf32>
      %parallel_loop3A_369 = arith.mulf %parallel_loop3A_243, %parallel_loop3A_368 : vector<16xf32>
      %parallel_loop3A_370 = arith.addf %parallel_loop3A_367, %parallel_loop3A_369 : vector<16xf32>
      %parallel_loop3A_371 = vector.broadcast %add3A_203 : f32 to vector<16xf32>
      %parallel_loop3A_372 = arith.addf %parallel_loop3A_370, %parallel_loop3A_371 : vector<16xf32>
      %parallel_loop3A_373 = arith.constant 0.000000e+00 : f32
      %parallel_loop3A_374 = vector.broadcast %parallel_loop3A_373 : f32 to vector<16xf32>
      %parallel_loop3A_375 = arith.maximumf %parallel_loop3A_372, %parallel_loop3A_374 : vector<16xf32>
      %parallel_loop3A_376 = arith.constant 6 : i32
      %parallel_loop3A_377 = vector.broadcast %parallel_loop3A_376 : i32 to vector<16xi32>
      %parallel_loop3A_378 = arith.addi %mul3A_218, %parallel_loop3A_377 : vector<16xi32>
      tpu.vector_store_idx %arg14[%parallel_loop3A_245, %parallel_loop3A_378], %parallel_loop3A_375 : memref<128x64xf32, #tpu.memory_space<vmem>>[vector<16xi32>, vector<16xi32>], vector<16xf32>,
      %parallel_loop3A_379 = vector.broadcast %squeeze3A_99 : f32 to vector<16xf32>
      %parallel_loop3A_380 = arith.mulf %parallel_loop3A_240, %parallel_loop3A_379 : vector<16xf32>
      %parallel_loop3A_381 = vector.broadcast %squeeze3A_115 : f32 to vector<16xf32>
      %parallel_loop3A_382 = arith.mulf %parallel_loop3A_241, %parallel_loop3A_381 : vector<16xf32>
      %parallel_loop3A_383 = arith.addf %parallel_loop3A_380, %parallel_loop3A_382 : vector<16xf32>
      %parallel_loop3A_384 = vector.broadcast %squeeze3A_131 : f32 to vector<16xf32>
      %parallel_loop3A_385 = arith.mulf %parallel_loop3A_242, %parallel_loop3A_384 : vector<16xf32>
      %parallel_loop3A_386 = arith.addf %parallel_loop3A_383, %parallel_loop3A_385 : vector<16xf32>
      %parallel_loop3A_387 = vector.broadcast %squeeze3A_147 : f32 to vector<16xf32>
      %parallel_loop3A_388 = arith.mulf %parallel_loop3A_243, %parallel_loop3A_387 : vector<16xf32>
      %parallel_loop3A_389 = arith.addf %parallel_loop3A_386, %parallel_loop3A_388 : vector<16xf32>
      %parallel_loop3A_390 = vector.broadcast %add3A_211 : f32 to vector<16xf32>
      %parallel_loop3A_391 = arith.addf %parallel_loop3A_389, %parallel_loop3A_390 : vector<16xf32>
      %parallel_loop3A_392 = arith.constant 0.000000e+00 : f32
      %parallel_loop3A_393 = vector.broadcast %parallel_loop3A_392 : f32 to vector<16xf32>
      %parallel_loop3A_394 = arith.maximumf %parallel_loop3A_391, %parallel_loop3A_393 : vector<16xf32>
      %parallel_loop3A_395 = arith.constant 7 : i32
      %parallel_loop3A_396 = vector.broadcast %parallel_loop3A_395 : i32 to vector<16xi32>
      %parallel_loop3A_397 = arith.addi %mul3A_218, %parallel_loop3A_396 : vector<16xi32>
      tpu.vector_store_idx %arg14[%parallel_loop3A_245, %parallel_loop3A_397], %parallel_loop3A_394 : memref<128x64xf32, #tpu.memory_space<vmem>>[vector<16xi32>, vector<16xi32>], vector<16xf32>,
    } {sc.loop_unroll_factor = 4 : i64, sc.parallel_access}
    "tpu.region"() ({
      %run_scoped3A = tpu.sem_alloc : memref<!tpu.dma_semaphore, #tpu.memory_space<semaphore_mem>>
      %dma_start3A_223 = arith.constant 0 : i32
      %dma_start3A_224 = tpu.memref_slice %arg7[%mul3A_2, %dma_start3A_223] : memref<4096x64xf32, #tpu.memory_space<hbm>> -> memref<128x64xf32, #tpu.memory_space<hbm>>
      %dma_start3A_225 = arith.constant 0 : i32
      %dma_start3A_226 = tpu.memref_slice %arg7[%mul3A_2, %dma_start3A_225] : memref<4096x64xf32, #tpu.memory_space<hbm>> -> memref<128x64xf32, #tpu.memory_space<hbm>>
      tpu.enqueue_dma source(%arg14 : memref<128x64xf32, #tpu.memory_space<vmem>>) target(%dma_start3A_226 : memref<128x64xf32, #tpu.memory_space<hbm>>) target_semaphore(%run_scoped3A : memref<!tpu.dma_semaphore, #tpu.memory_space<semaphore_mem>>)
      %dma_wait3A_227 = arith.constant 0 : i32
      %dma_wait3A_228 = tpu.memref_slice %arg7[%mul3A_2, %dma_wait3A_227] : memref<4096x64xf32, #tpu.memory_space<hbm>> -> memref<128x64xf32, #tpu.memory_space<hbm>>
      %dma_wait3A_229 = arith.constant 0 : i32
      %dma_wait3A_230 = tpu.memref_slice %arg7[%mul3A_2, %dma_wait3A_229] : memref<4096x64xf32, #tpu.memory_space<hbm>> -> memref<128x64xf32, #tpu.memory_space<hbm>>
      tpu.wait_dma2 semaphore(%run_scoped3A : memref<!tpu.dma_semaphore, #tpu.memory_space<semaphore_mem>>) src(%arg14 : memref<128x64xf32, #tpu.memory_space<vmem>>) dst(%dma_wait3A_230 : memref<128x64xf32, #tpu.memory_space<hbm>>)
      tpu.yield
    }) : () -> ()
    return
  }
}

module attributes {stable_mosaic.version = 14 : i64} {
  func.func @_tc_topk_body(%arg0: i32, %arg1: memref<512x2xf32, #tpu.memory_space<vmem>>, %arg2: memref<2x4096xf32, #tpu.memory_space<vmem>>, %arg3: memref<2x4096xf32, #tpu.memory_space<vmem>>, %arg4: memref<512x8xi32, #tpu.memory_space<vmem>>, %arg5: memref<2x4096xf32, #tpu.memory_space<vmem>>) attributes {dimension_semantics = [#tpu.dimension_semantics<arbitrary>], iteration_bounds = array<i64: 8>, scalar_prefetch = 0 : i64, scratch_operands = 0 : i64, tpu.core_type = #tpu.core_type<tc>, window_params = [{transform_indices = @transform_0, window_bounds = array<i64: 512, 2>}, {pipeline_mode = #tpu.pipeline_mode<synchronous>, transform_indices = @transform_1, window_bounds = array<i64: 2, 4096>}, {pipeline_mode = #tpu.pipeline_mode<synchronous>, transform_indices = @transform_2, window_bounds = array<i64: 2, 4096>}, {transform_indices = @transform_3, window_bounds = array<i64: 512, 8>}, {pipeline_mode = #tpu.pipeline_mode<synchronous>, transform_indices = @transform_4, window_bounds = array<i64: 2, 4096>}]} {
    %eq3A = arith.constant 0 : i32
    %eq3A_0 = arith.cmpi eq, %arg0, %eq3A : i32
    %convert_element_type3A = arith.extui %eq3A_0 : i1 to i32
    %cond3A = arith.constant 0 : i32
    %cond3A_1 = arith.cmpi ne, %convert_element_type3A, %cond3A : i32
    scf.if %cond3A_1 {
      %get3A_153 = arith.constant 0 : index
      %get3A_154 = arith.constant 0 : index
      %get3A_155 = vector.load %arg2[%get3A_153, %get3A_154] : memref<2x4096xf32, #tpu.memory_space<vmem>>, vector<2x4096xf32>
      %get3A_156 = arith.constant 0 : index
      %get3A_157 = arith.constant 0 : index
      %get3A_158 = vector.load %arg3[%get3A_156, %get3A_157] : memref<2x4096xf32, #tpu.memory_space<vmem>>, vector<2x4096xf32>
      %sub3A_159 = arith.subf %get3A_155, %get3A_158 : vector<2x4096xf32>
      %swap3A_160 = arith.constant 0 : index
      %swap3A_161 = arith.constant 0 : index
      %swap3A_162 = vector.load %arg5[%swap3A_160, %swap3A_161] : memref<2x4096xf32, #tpu.memory_space<vmem>>, vector<2x4096xf32>
      tpu.vector_store %arg5[%swap3A_160, %swap3A_161], %sub3A_159 {strides = array<i32>} : memref<2x4096xf32, #tpu.memory_space<vmem>>, vector<2x4096xf32>,
    } else {
    }
    %get3A = arith.constant 0 : index
    %get3A_2 = arith.constant 0 : index
    %get3A_3 = vector.load %arg2[%get3A, %get3A_2] : memref<2x4096xf32, #tpu.memory_space<vmem>>, vector<1x4096xf32>
    %get3A_4 = arith.constant 1 : index
    %get3A_5 = arith.constant 0 : index
    %get3A_6 = vector.load %arg2[%get3A_4, %get3A_5] : memref<2x4096xf32, #tpu.memory_space<vmem>>, vector<1x4096xf32>
    %get3A_7 = arith.constant 0 : index
    %get3A_8 = arith.constant 0 : index
    %get3A_9 = vector.load %arg1[%get3A_7, %get3A_8] : memref<512x2xf32, #tpu.memory_space<vmem>>, vector<512x1xf32>
    %get3A_10 = arith.constant 0 : index
    %get3A_11 = arith.constant 1 : index
    %get3A_12 = vector.load %arg1[%get3A_10, %get3A_11] : memref<512x2xf32, #tpu.memory_space<vmem>>, vector<512x1xf32>
    %sub3A = vector.broadcast %get3A_3 : vector<1x4096xf32> to vector<512x4096xf32>
    %sub3A_13 = vector.broadcast %get3A_9 : vector<512x1xf32> to vector<512x4096xf32>
    %sub3A_14 = arith.subf %sub3A, %sub3A_13 : vector<512x4096xf32>
    %sub3A_15 = vector.broadcast %get3A_6 : vector<1x4096xf32> to vector<512x4096xf32>
    %sub3A_16 = vector.broadcast %get3A_12 : vector<512x1xf32> to vector<512x4096xf32>
    %sub3A_17 = arith.subf %sub3A_15, %sub3A_16 : vector<512x4096xf32>
    %mul3A = arith.mulf %sub3A_14, %sub3A_14 : vector<512x4096xf32>
    %mul3A_18 = arith.mulf %sub3A_17, %sub3A_17 : vector<512x4096xf32>
    %add3A = arith.addf %mul3A, %mul3A_18 : vector<512x4096xf32>
    %add3A_19 = arith.constant 1.000000e+00 : f32
    %add3A_20 = vector.broadcast %add3A_19 : f32 to vector<512x4096xf32>
    %add3A_21 = arith.addf %add3A, %add3A_20 : vector<512x4096xf32>
    %sqrt3A = math.sqrt %add3A_21 : vector<512x4096xf32>
    %iota3A = tpu.iota {dimensions = array<i32: 1>} : vector<512x4096xi32>
    %iota3A_22 = tpu.iota {dimensions = array<i32: 0>} : vector<512x4096xi32>
    %mul3A_23 = arith.constant 512 : i32
    %mul3A_24 = arith.muli %arg0, %mul3A_23 : i32
    %add3A_25 = vector.broadcast %mul3A_24 : i32 to vector<512x4096xi32>
    %add3A_26 = arith.addi %iota3A_22, %add3A_25 : vector<512x4096xi32>
    %convert_element_type3A_27 = arith.sitofp %iota3A : vector<512x4096xi32> to vector<512x4096xf32>
    %eq3A_28 = arith.cmpi eq, %iota3A, %add3A_26 : vector<512x4096xi32>
    %jit3A = arith.constant 1.000000e+30 : f32
    %broadcast_in_dim3A = vector.broadcast %jit3A : f32 to vector<512x4096xf32>
    %select_n3A = arith.select %eq3A_28, %broadcast_in_dim3A, %sqrt3A : vector<512x4096xi1>, vector<512x4096xf32>
    %reduce_min3A = arith.constant dense<0x7F800000> : vector<512xf32>
    %reduce_min3A_29 = vector.multi_reduction <minimumf>, %select_n3A, %reduce_min3A [1] : vector<512x4096xf32> to vector<512xf32>
    %broadcast_in_dim3A_30 = vector.shape_cast %reduce_min3A_29 : vector<512xf32> to vector<512x1xf32>
    %le3A = vector.broadcast %broadcast_in_dim3A_30 : vector<512x1xf32> to vector<512x4096xf32>
    %le3A_31 = arith.cmpf ole, %select_n3A, %le3A : vector<512x4096xf32>
    %jit3A_32 = arith.constant 4.096000e+03 : f32
    %broadcast_in_dim3A_33 = vector.broadcast %jit3A_32 : f32 to vector<512x4096xf32>
    %select_n3A_34 = arith.select %le3A_31, %convert_element_type3A_27, %broadcast_in_dim3A_33 : vector<512x4096xi1>, vector<512x4096xf32>
    %reduce_min3A_35 = arith.constant dense<0x7F800000> : vector<512xf32>
    %reduce_min3A_36 = vector.multi_reduction <minimumf>, %select_n3A_34, %reduce_min3A_35 [1] : vector<512x4096xf32> to vector<512xf32>
    %broadcast_in_dim3A_37 = vector.shape_cast %reduce_min3A_36 : vector<512xf32> to vector<512x1xf32>
    %eq3A_38 = vector.broadcast %broadcast_in_dim3A_37 : vector<512x1xf32> to vector<512x4096xf32>
    %eq3A_39 = arith.cmpf oeq, %convert_element_type3A_27, %eq3A_38 : vector<512x4096xf32>
    %jit3A_40 = arith.constant 2.000000e+30 : f32
    %broadcast_in_dim3A_41 = vector.broadcast %jit3A_40 : f32 to vector<512x4096xf32>
    %select_n3A_42 = arith.select %eq3A_39, %broadcast_in_dim3A_41, %select_n3A : vector<512x4096xi1>, vector<512x4096xf32>
    %reduce_min3A_43 = arith.constant dense<0x7F800000> : vector<512xf32>
    %reduce_min3A_44 = vector.multi_reduction <minimumf>, %select_n3A_42, %reduce_min3A_43 [1] : vector<512x4096xf32> to vector<512xf32>
    %broadcast_in_dim3A_45 = vector.shape_cast %reduce_min3A_44 : vector<512xf32> to vector<512x1xf32>
    %le3A_46 = vector.broadcast %broadcast_in_dim3A_45 : vector<512x1xf32> to vector<512x4096xf32>
    %le3A_47 = arith.cmpf ole, %select_n3A_42, %le3A_46 : vector<512x4096xf32>
    %jit3A_48 = arith.constant 4.096000e+03 : f32
    %broadcast_in_dim3A_49 = vector.broadcast %jit3A_48 : f32 to vector<512x4096xf32>
    %select_n3A_50 = arith.select %le3A_47, %convert_element_type3A_27, %broadcast_in_dim3A_49 : vector<512x4096xi1>, vector<512x4096xf32>
    %reduce_min3A_51 = arith.constant dense<0x7F800000> : vector<512xf32>
    %reduce_min3A_52 = vector.multi_reduction <minimumf>, %select_n3A_50, %reduce_min3A_51 [1] : vector<512x4096xf32> to vector<512xf32>
    %broadcast_in_dim3A_53 = vector.shape_cast %reduce_min3A_52 : vector<512xf32> to vector<512x1xf32>
    %eq3A_54 = vector.broadcast %broadcast_in_dim3A_53 : vector<512x1xf32> to vector<512x4096xf32>
    %eq3A_55 = arith.cmpf oeq, %convert_element_type3A_27, %eq3A_54 : vector<512x4096xf32>
    %jit3A_56 = arith.constant 2.000000e+30 : f32
    %broadcast_in_dim3A_57 = vector.broadcast %jit3A_56 : f32 to vector<512x4096xf32>
    %select_n3A_58 = arith.select %eq3A_55, %broadcast_in_dim3A_57, %select_n3A_42 : vector<512x4096xi1>, vector<512x4096xf32>
    %reduce_min3A_59 = arith.constant dense<0x7F800000> : vector<512xf32>
    %reduce_min3A_60 = vector.multi_reduction <minimumf>, %select_n3A_58, %reduce_min3A_59 [1] : vector<512x4096xf32> to vector<512xf32>
    %broadcast_in_dim3A_61 = vector.shape_cast %reduce_min3A_60 : vector<512xf32> to vector<512x1xf32>
    %le3A_62 = vector.broadcast %broadcast_in_dim3A_61 : vector<512x1xf32> to vector<512x4096xf32>
    %le3A_63 = arith.cmpf ole, %select_n3A_58, %le3A_62 : vector<512x4096xf32>
    %jit3A_64 = arith.constant 4.096000e+03 : f32
    %broadcast_in_dim3A_65 = vector.broadcast %jit3A_64 : f32 to vector<512x4096xf32>
    %select_n3A_66 = arith.select %le3A_63, %convert_element_type3A_27, %broadcast_in_dim3A_65 : vector<512x4096xi1>, vector<512x4096xf32>
    %reduce_min3A_67 = arith.constant dense<0x7F800000> : vector<512xf32>
    %reduce_min3A_68 = vector.multi_reduction <minimumf>, %select_n3A_66, %reduce_min3A_67 [1] : vector<512x4096xf32> to vector<512xf32>
    %broadcast_in_dim3A_69 = vector.shape_cast %reduce_min3A_68 : vector<512xf32> to vector<512x1xf32>
    %eq3A_70 = vector.broadcast %broadcast_in_dim3A_69 : vector<512x1xf32> to vector<512x4096xf32>
    %eq3A_71 = arith.cmpf oeq, %convert_element_type3A_27, %eq3A_70 : vector<512x4096xf32>
    %jit3A_72 = arith.constant 2.000000e+30 : f32
    %broadcast_in_dim3A_73 = vector.broadcast %jit3A_72 : f32 to vector<512x4096xf32>
    %select_n3A_74 = arith.select %eq3A_71, %broadcast_in_dim3A_73, %select_n3A_58 : vector<512x4096xi1>, vector<512x4096xf32>
    %reduce_min3A_75 = arith.constant dense<0x7F800000> : vector<512xf32>
    %reduce_min3A_76 = vector.multi_reduction <minimumf>, %select_n3A_74, %reduce_min3A_75 [1] : vector<512x4096xf32> to vector<512xf32>
    %broadcast_in_dim3A_77 = vector.shape_cast %reduce_min3A_76 : vector<512xf32> to vector<512x1xf32>
    %le3A_78 = vector.broadcast %broadcast_in_dim3A_77 : vector<512x1xf32> to vector<512x4096xf32>
    %le3A_79 = arith.cmpf ole, %select_n3A_74, %le3A_78 : vector<512x4096xf32>
    %jit3A_80 = arith.constant 4.096000e+03 : f32
    %broadcast_in_dim3A_81 = vector.broadcast %jit3A_80 : f32 to vector<512x4096xf32>
    %select_n3A_82 = arith.select %le3A_79, %convert_element_type3A_27, %broadcast_in_dim3A_81 : vector<512x4096xi1>, vector<512x4096xf32>
    %reduce_min3A_83 = arith.constant dense<0x7F800000> : vector<512xf32>
    %reduce_min3A_84 = vector.multi_reduction <minimumf>, %select_n3A_82, %reduce_min3A_83 [1] : vector<512x4096xf32> to vector<512xf32>
    %broadcast_in_dim3A_85 = vector.shape_cast %reduce_min3A_84 : vector<512xf32> to vector<512x1xf32>
    %eq3A_86 = vector.broadcast %broadcast_in_dim3A_85 : vector<512x1xf32> to vector<512x4096xf32>
    %eq3A_87 = arith.cmpf oeq, %convert_element_type3A_27, %eq3A_86 : vector<512x4096xf32>
    %jit3A_88 = arith.constant 2.000000e+30 : f32
    %broadcast_in_dim3A_89 = vector.broadcast %jit3A_88 : f32 to vector<512x4096xf32>
    %select_n3A_90 = arith.select %eq3A_87, %broadcast_in_dim3A_89, %select_n3A_74 : vector<512x4096xi1>, vector<512x4096xf32>
    %reduce_min3A_91 = arith.constant dense<0x7F800000> : vector<512xf32>
    %reduce_min3A_92 = vector.multi_reduction <minimumf>, %select_n3A_90, %reduce_min3A_91 [1] : vector<512x4096xf32> to vector<512xf32>
    %broadcast_in_dim3A_93 = vector.shape_cast %reduce_min3A_92 : vector<512xf32> to vector<512x1xf32>
    %le3A_94 = vector.broadcast %broadcast_in_dim3A_93 : vector<512x1xf32> to vector<512x4096xf32>
    %le3A_95 = arith.cmpf ole, %select_n3A_90, %le3A_94 : vector<512x4096xf32>
    %jit3A_96 = arith.constant 4.096000e+03 : f32
    %broadcast_in_dim3A_97 = vector.broadcast %jit3A_96 : f32 to vector<512x4096xf32>
    %select_n3A_98 = arith.select %le3A_95, %convert_element_type3A_27, %broadcast_in_dim3A_97 : vector<512x4096xi1>, vector<512x4096xf32>
    %reduce_min3A_99 = arith.constant dense<0x7F800000> : vector<512xf32>
    %reduce_min3A_100 = vector.multi_reduction <minimumf>, %select_n3A_98, %reduce_min3A_99 [1] : vector<512x4096xf32> to vector<512xf32>
    %broadcast_in_dim3A_101 = vector.shape_cast %reduce_min3A_100 : vector<512xf32> to vector<512x1xf32>
    %eq3A_102 = vector.broadcast %broadcast_in_dim3A_101 : vector<512x1xf32> to vector<512x4096xf32>
    %eq3A_103 = arith.cmpf oeq, %convert_element_type3A_27, %eq3A_102 : vector<512x4096xf32>
    %jit3A_104 = arith.constant 2.000000e+30 : f32
    %broadcast_in_dim3A_105 = vector.broadcast %jit3A_104 : f32 to vector<512x4096xf32>
    %select_n3A_106 = arith.select %eq3A_103, %broadcast_in_dim3A_105, %select_n3A_90 : vector<512x4096xi1>, vector<512x4096xf32>
    %reduce_min3A_107 = arith.constant dense<0x7F800000> : vector<512xf32>
    %reduce_min3A_108 = vector.multi_reduction <minimumf>, %select_n3A_106, %reduce_min3A_107 [1] : vector<512x4096xf32> to vector<512xf32>
    %broadcast_in_dim3A_109 = vector.shape_cast %reduce_min3A_108 : vector<512xf32> to vector<512x1xf32>
    %le3A_110 = vector.broadcast %broadcast_in_dim3A_109 : vector<512x1xf32> to vector<512x4096xf32>
    %le3A_111 = arith.cmpf ole, %select_n3A_106, %le3A_110 : vector<512x4096xf32>
    %jit3A_112 = arith.constant 4.096000e+03 : f32
    %broadcast_in_dim3A_113 = vector.broadcast %jit3A_112 : f32 to vector<512x4096xf32>
    %select_n3A_114 = arith.select %le3A_111, %convert_element_type3A_27, %broadcast_in_dim3A_113 : vector<512x4096xi1>, vector<512x4096xf32>
    %reduce_min3A_115 = arith.constant dense<0x7F800000> : vector<512xf32>
    %reduce_min3A_116 = vector.multi_reduction <minimumf>, %select_n3A_114, %reduce_min3A_115 [1] : vector<512x4096xf32> to vector<512xf32>
    %broadcast_in_dim3A_117 = vector.shape_cast %reduce_min3A_116 : vector<512xf32> to vector<512x1xf32>
    %eq3A_118 = vector.broadcast %broadcast_in_dim3A_117 : vector<512x1xf32> to vector<512x4096xf32>
    %eq3A_119 = arith.cmpf oeq, %convert_element_type3A_27, %eq3A_118 : vector<512x4096xf32>
    %jit3A_120 = arith.constant 2.000000e+30 : f32
    %broadcast_in_dim3A_121 = vector.broadcast %jit3A_120 : f32 to vector<512x4096xf32>
    %select_n3A_122 = arith.select %eq3A_119, %broadcast_in_dim3A_121, %select_n3A_106 : vector<512x4096xi1>, vector<512x4096xf32>
    %reduce_min3A_123 = arith.constant dense<0x7F800000> : vector<512xf32>
    %reduce_min3A_124 = vector.multi_reduction <minimumf>, %select_n3A_122, %reduce_min3A_123 [1] : vector<512x4096xf32> to vector<512xf32>
    %broadcast_in_dim3A_125 = vector.shape_cast %reduce_min3A_124 : vector<512xf32> to vector<512x1xf32>
    %le3A_126 = vector.broadcast %broadcast_in_dim3A_125 : vector<512x1xf32> to vector<512x4096xf32>
    %le3A_127 = arith.cmpf ole, %select_n3A_122, %le3A_126 : vector<512x4096xf32>
    %jit3A_128 = arith.constant 4.096000e+03 : f32
    %broadcast_in_dim3A_129 = vector.broadcast %jit3A_128 : f32 to vector<512x4096xf32>
    %select_n3A_130 = arith.select %le3A_127, %convert_element_type3A_27, %broadcast_in_dim3A_129 : vector<512x4096xi1>, vector<512x4096xf32>
    %reduce_min3A_131 = arith.constant dense<0x7F800000> : vector<512xf32>
    %reduce_min3A_132 = vector.multi_reduction <minimumf>, %select_n3A_130, %reduce_min3A_131 [1] : vector<512x4096xf32> to vector<512xf32>
    %broadcast_in_dim3A_133 = vector.shape_cast %reduce_min3A_132 : vector<512xf32> to vector<512x1xf32>
    %eq3A_134 = vector.broadcast %broadcast_in_dim3A_133 : vector<512x1xf32> to vector<512x4096xf32>
    %eq3A_135 = arith.cmpf oeq, %convert_element_type3A_27, %eq3A_134 : vector<512x4096xf32>
    %jit3A_136 = arith.constant 2.000000e+30 : f32
    %broadcast_in_dim3A_137 = vector.broadcast %jit3A_136 : f32 to vector<512x4096xf32>
    %select_n3A_138 = arith.select %eq3A_135, %broadcast_in_dim3A_137, %select_n3A_122 : vector<512x4096xi1>, vector<512x4096xf32>
    %reduce_min3A_139 = arith.constant dense<0x7F800000> : vector<512xf32>
    %reduce_min3A_140 = vector.multi_reduction <minimumf>, %select_n3A_138, %reduce_min3A_139 [1] : vector<512x4096xf32> to vector<512xf32>
    %broadcast_in_dim3A_141 = vector.shape_cast %reduce_min3A_140 : vector<512xf32> to vector<512x1xf32>
    %le3A_142 = vector.broadcast %broadcast_in_dim3A_141 : vector<512x1xf32> to vector<512x4096xf32>
    %le3A_143 = arith.cmpf ole, %select_n3A_138, %le3A_142 : vector<512x4096xf32>
    %jit3A_144 = arith.constant 4.096000e+03 : f32
    %broadcast_in_dim3A_145 = vector.broadcast %jit3A_144 : f32 to vector<512x4096xf32>
    %select_n3A_146 = arith.select %le3A_143, %convert_element_type3A_27, %broadcast_in_dim3A_145 : vector<512x4096xi1>, vector<512x4096xf32>
    %reduce_min3A_147 = arith.constant dense<0x7F800000> : vector<512xf32>
    %reduce_min3A_148 = vector.multi_reduction <minimumf>, %select_n3A_146, %reduce_min3A_147 [1] : vector<512x4096xf32> to vector<512xf32>
    %broadcast_in_dim3A_149 = vector.shape_cast %reduce_min3A_148 : vector<512xf32> to vector<512x1xf32>
    %concatenate3A = tpu.concatenate %broadcast_in_dim3A_37, %broadcast_in_dim3A_53, %broadcast_in_dim3A_69, %broadcast_in_dim3A_85, %broadcast_in_dim3A_101, %broadcast_in_dim3A_117, %broadcast_in_dim3A_133, %broadcast_in_dim3A_149 in 1 : vector<512x1xf32>, vector<512x1xf32>, vector<512x1xf32>, vector<512x1xf32>, vector<512x1xf32>, vector<512x1xf32>, vector<512x1xf32>, vector<512x1xf32> -> vector<512x8xf32>
    %convert_element_type3A_150 = arith.fptosi %concatenate3A : vector<512x8xf32> to vector<512x8xi32>
    %swap3A = arith.constant 0 : index
    %swap3A_151 = arith.constant 0 : index
    %swap3A_152 = vector.load %arg4[%swap3A, %swap3A_151] : memref<512x8xi32, #tpu.memory_space<vmem>>, vector<512x8xi32>
    tpu.vector_store %arg4[%swap3A, %swap3A_151], %convert_element_type3A_150 {strides = array<i32>} : memref<512x8xi32, #tpu.memory_space<vmem>>, vector<512x8xi32>,
    return
  }
  func.func @transform_0(%arg0: i32) -> (i32, i32) {
    %c0_i32 = arith.constant 0 : i32
    %c0_i32_0 = arith.constant 0 : i32
    return %arg0, %c0_i32 : i32, i32
  }
  func.func @transform_1(%arg0: i32) -> (i32, i32) {
    %c0_i32 = arith.constant 0 : i32
    %c0_i32_0 = arith.constant 0 : i32
    %c0_i32_1 = arith.constant 0 : i32
    return %c0_i32, %c0_i32_0 : i32, i32
  }
  func.func @transform_2(%arg0: i32) -> (i32, i32) {
    %c0_i32 = arith.constant 0 : i32
    %c0_i32_0 = arith.constant 0 : i32
    %c0_i32_1 = arith.constant 0 : i32
    return %c0_i32, %c0_i32_0 : i32, i32
  }
  func.func @transform_3(%arg0: i32) -> (i32, i32) {
    %c0_i32 = arith.constant 0 : i32
    %c0_i32_0 = arith.constant 0 : i32
    return %arg0, %c0_i32 : i32, i32
  }
  func.func @transform_4(%arg0: i32) -> (i32, i32) {
    %c0_i32 = arith.constant 0 : i32
    %c0_i32_0 = arith.constant 0 : i32
    %c0_i32_1 = arith.constant 0 : i32
    return %c0_i32, %c0_i32_0 : i32, i32
  }
}

</mosaic_0001>

<sc_bundles>
// kernel: kernel.4.cloned.1.call-start
scs
__scs_entry_jumppad:
0x0: {  	(pc) =	sbr.rel $0x88, $3  }
0x1: {  	(tag) =	ssettag $0x0;
	lr =	simm.s32 $0x1  }
0x2: {  	[smem:$0x3F9D] =	sst lr;
	_ =	strace $0xD0000000  }
0x3: {  	_ = 	snop  }
0x4: {  	_ = 	snop  }
0x5: {  	_ = 	snop  }
0x6: {  	_ = 	snop  }
0x7: {  	_ = 	snop  }
__scs_overlays_trampoline_lowered:
0x8: {  	[smem:$0x3FAC] =	sst s0  }
0x9: {  	[smem:$0x3FAD] =	sst s1  }
0xa: {  	[smem:$0x3FAE] =	sst s2  }
0xb: {  	[smem:$0x3FAF] =	sst s3  }
0xc: {  	[smem:$0x3FB0] =	sst s4  }
0xd: {  	[smem:$0x3FB1] =	sst s5  }
0xe: {  	[smem:$0x3FB2] =	sst s6  }
0xf: {  	[smem:$0x3FB3] =	sst s7  }
0x10: {  	[smem:$0x3FB4] =	sst s8  }
0x11: {  	[smem:$0x3FB5] =	sst s9;
	s0 =	simm.s32 @!p0 $0x0  }
0x12: {  	s1 =	sld [smem:$0x3F9B];
	s0 =	simm.s32 @p0 $0x1  }
0x13: {  	[smem:$0x3FB6] =	sst s0;
	s0 =	simm.s32 @!p1 $0x0  }
0x14: {  	s2 =	sld [smem:$0x3F9A];
	s0 =	simm.s32 @p1 $0x1  }
0x15: {  	[smem:$0x3FB7] =	sst s0;
	s0 =	simm.s32 @!p2 $0x0  }
0x16: {  	s3 =	sld [smem:$0x3FDB];
	s0 =	simm.s32 @p2 $0x1  }
0x17: {  	s4 =	simm.s32 $0x1BF5;
	[smem:$0x3FB9] =	sst s0  }
0x18: {  	s0 =	sld [smem:$0x3F9C];
	_ =	swait.ge [sflag:s4], $0x0  }
0x19: {  	s7 =	sld [smem:$0x3F9D]  }
0x1a: {  	s8 =	sadd.s32 $0xFFFFE003, lr  }
0x1b: {  	s9 =	sadd.s32 $0xFFFFFEF7, lr;
	s5 =	simm.s32 $0xFFFFFFFF;
	p2 =	slt.u32 s8, $0xFFFFF086  }
0x1c: {  	p1 =	slt.u32 s9, $0xF7A;
	s5 =	simm.s32 @!p2 $0x0  }
0x1d: {  	s5 =	simm.s32 @p1 $0x1;
	p0 =	seq.s32 s7, s2  }
0x1e: {  	s7 =	smul.u32 @!p0 $0xF7A, s2;
	p2 =	seq.s32 @!p0 s5, $0x0  }
0x1f: {  	s9 =	smul.u32 $0xF7A, s1;
	s8 =	simm.s32 @!p0 $0x1BF5;
	p2 =	por !p2, p0  }
0x20: {  	[sflag:s8] =	ssyncset.s32 @!p0 $0xFFFFF086;
	s6 =	sadd.s32 @!p0 s3, s7;
	s7 =	simm.s32 @!p0 $0x108  }
0x21: {  	s3 =	sadd.s32 s3, s9;
	s6 =	sadd.s32 @!p0 $0x88, s6;
	s7 =	simm.s32 @p2 $0x1082  }
0x22: {  	[simem:s7], [sflag:s8] =	dma.local @!p0 [hbm:s6], $0xF7A  }
0x23: {  	s9 =	sor.u32 $0xD0000000, s2;
	s6 =	simm.s32 $0x108;
	_ =	swait.ge @!p0 [sflag:s8], $0x0  }
0x24: {  	s3 =	sadd.s32 $0x88, s3;
	s6 =	simm.s32 @!p1 $0x1082;
	[sflag:s4] =	ssyncset.s32 $0xFFFFF086  }
0x25: {  	[simem:s6], [sflag:s4] =	dma.local [hbm:s3], $0xF7A  }
0x26: {  	[smem:$0x3F9D] =	sst s1;
	(tag) =	ssettag s2;
	_ =	strace s9  }
0x27: {  	s1 =	sld [smem:$0x3FAD]  }
0x28: {  	s2 =	sld [smem:$0x3FAE]  }
0x29: {  	s4 =	sld [smem:$0x3FB0]  }
0x2a: {  	p0 =	seq.s32 s5, $0x0;
	s5 =	sld [smem:$0x3FB1]  }
0x2b: {  	s6 =	sld [smem:$0x3FB2]  }
0x2c: {  	s7 =	sld [smem:$0x3FB3]  }
0x2d: {  	s3 =	simm.s32 $0x108;
	s8 =	sld [smem:$0x3FB4]  }
0x2e: {  	s3 =	simm.s32 @!p0 $0x1082;
	s9 =	sld [smem:$0x3FB5]  }
0x2f: {  	lr =	sadd.s32 s0, s3;
	s0 =	sld [smem:$0x3FAC]  }
0x30: {  	s3 =	sld [smem:$0x3FAF]  }
0x31: {  	[smem:$0x3FB8] =	sst s10  }
0x32: {  	s10 =	sld [smem:$0x3FB6];
	_ =	sdelay $0x3  }
0x33: {  	p0 =	seq.s32 s10, $0x1;
	s10 =	sld [smem:$0x3FB8];
	_ =	sdelay $0x3  }
0x34: {  	[smem:$0x3FB8] =	sst s10  }
0x35: {  	s10 =	sld [smem:$0x3FB7];
	_ =	sdelay $0x3  }
0x36: {  	p1 =	seq.s32 s10, $0x1;
	s10 =	sld [smem:$0x3FB8];
	_ =	sdelay $0x3  }
0x37: {  	[smem:$0x3FB8] =	sst s10  }
0x38: {  	s10 =	sld [smem:$0x3FB9]  }
0x39: {  	_ = 	snop;
	(pc) =	sbr.ind lr, $3  }
0x3a: {  	_ = 	snop  }
0x3b: {  	_ = 	snop  }
0x3c: {  	p2 =	seq.s32 s10, $0x1;
	s10 =	sld [smem:$0x3FB8]  }
0x3d: {  	_ =	shalt  }
0x3e: {  	_ =	shalt  }
0x3f: {  	_ =	shalt  }
0x40: {  	_ =	shalt  }
0x41: {  	_ =	shalt  }
0x42: {  	_ =	shalt  }
0x43: {  	_ =	shalt  }
0x44: {  	_ =	shalt  }
0x45: {  	_ =	shalt  }
0x46: {  	_ =	shalt  }
0x47: {  	_ =	shalt  }
0x48: {  	_ =	shalt  }
0x49: {  	_ =	shalt  }
0x4a: {  	_ =	shalt  }
0x4b: {  	_ =	shalt  }
0x4c: {  	_ =	shalt  }
0x4d: {  	_ =	shalt  }
0x4e: {  	_ =	shalt  }
0x4f: {  	_ =	shalt  }
0x50: {  	_ =	shalt  }
0x51: {  	_ =	shalt  }
0x52: {  	_ =	shalt  }
0x53: {  	_ =	shalt  }
0x54: {  	_ =	shalt  }
0x55: {  	_ =	shalt  }
0x56: {  	_ =	shalt  }
0x57: {  	_ =	shalt  }
0x58: {  	_ =	shalt  }
0x59: {  	_ =	shalt  }
0x5a: {  	_ =	shalt  }
0x5b: {  	_ =	shalt  }
0x5c: {  	_ =	shalt  }
0x5d: {  	_ =	shalt  }
0x5e: {  	_ =	shalt  }
0x5f: {  	_ =	shalt  }
0x60: {  	_ =	shalt  }
0x61: {  	_ =	shalt  }
0x62: {  	_ =	shalt  }
0x63: {  	_ =	shalt  }
0x64: {  	_ =	shalt  }
0x65: {  	_ =	shalt  }
0x66: {  	_ =	shalt  }
0x67: {  	_ =	shalt  }
0x68: {  	_ =	shalt  }
0x69: {  	_ =	shalt  }
0x6a: {  	_ =	shalt  }
0x6b: {  	_ =	shalt  }
0x6c: {  	_ =	shalt  }
0x6d: {  	_ =	shalt  }
0x6e: {  	_ =	shalt  }
0x6f: {  	_ =	shalt  }
0x70: {  	_ =	shalt  }
0x71: {  	_ =	shalt  }
0x72: {  	_ =	shalt  }
0x73: {  	_ =	shalt  }
0x74: {  	_ =	shalt  }
0x75: {  	_ =	shalt  }
0x76: {  	_ =	shalt  }
0x77: {  	_ =	shalt  }
0x78: {  	_ =	shalt  }
0x79: {  	_ =	shalt  }
0x7a: {  	_ =	shalt  }
0x7b: {  	_ =	shalt  }
0x7c: {  	_ =	shalt  }
0x7d: {  	_ =	shalt  }
0x7e: {  	_ =	shalt  }
0x7f: {  	_ =	shalt  }
0x80: {  	_ =	shalt  }
0x81: {  	_ =	shalt  }
0x82: {  	_ =	shalt  }
0x83: {  	_ =	shalt  }
0x84: {  	_ =	shalt  }
0x85: {  	_ =	shalt  }
0x86: {  	_ =	shalt  }
0x87: {  	_ =	shalt  }
.Lfunc_end0:
.L_simem_size_0:
called_computation_lowered:
.L_overlay_start_0:
0x88: {  	s2 =	sld [smem:$0x3FD9]  }
0x89: {  	s3 =	sld [smem:$0x3FFE];
	_ =	sdelay $0x1  }
0x8a: {  	s1 =	srdreg.scid  }
0x8b: {  	s0 =	sand.u32 $0x1, s1  }
0x8c: {  	s17 =	sshll.u32 s0, $0xA;
	s2 =	sadd.s32 s3, s2  }
0x8d: {  	s2 =	sadd.s32 s2, s17  }
0x8e: {  	[smem:$0x3FC4] =	sst s2  }
0x8f: {  	_ = 	snop  }
0x90: {  	s2 =	sld [smem:$0x3FC8]  }
0x91: {  	s18 =	sld [smem:$0x3FC6]  }
0x92: {  	s4 =	sld [smem:$0x3FD0];
	(tm) =	ssettm $0x1  }
0x93: {  	s5 =	sld [smem:$0x3FFB];
	_ =	sdelay $0x3  }
0x94: {  	_ =	strace s5  }
0x95: {  	s5 =	sld [smem:$0x3FFC];
	_ =	sdelay $0x3  }
0x96: {  	_ =	strace s5  }
0x97: {  	s5 =	sld [smem:$0x3FFD];
	_ =	sdelay $0x3  }
0x98: {  	_ =	strace s5  }
0x99: {  	_ =	strace $0x8FFFFFFF  }
0x9a: {  	s19 =	sld [smem:$0x3FDB];
	_ =	sdelay $0x1  }
0x9b: {  	s6 =	simm.s32 $_scs_section_size  }
0x9c: {  	s7 =	simm.s32 $_size__tile_overlayer_lowered;
	s8 =	simm.s32 $_tile_overlayer_lowered  }
0x9d: {  	s22 =	simm.s32 $0x1BFF;
	s21 =	sshll.u32 s8, $0x1;
	s5 =	sadd.s32 s6, s19  }
0x9e: {  	s9 =	simm.s32 $0x0;
	s20 =	sshll.u32 s7, $0x1;
	s7 =	sadd.s32 s21, s5  }
0x9f: {  	[timem:s9], [sflag:s22] =	dma.local [hbm:s7], s20  }
0xa0: {  	_ =	swait.ge [sflag:s22], s20  }
0xa1: {  	s6 =	ssub.s32 $0x0, s20;
	[sflag:s22] =	ssyncset.done $0x0  }
0xa2: {  	[sflag:s22] =	ssyncadd.s32 s6;
	_ =	sdelay $0x1  }
0xa3: {  	s23 =	simm.s32 $0x1B8B  }
0xa4: {  	_ =	swait.ge [sflag:s23], $0x1  }
0xa5: {  	[sflag:s23] =	ssyncset.done $0x0  }
0xa6: {  	s25 =	simm.s32 $0x1B8E;
	s24 =	sld [smem:$0x3FFE];
	[sflag:s23] =	ssyncadd.s32 $0xFFFFFFFF  }
0xa7: {  	s26 =	simm.s32 $execute0_lowered;
	[smem:$0x3FD2] =	sst s25  }
0xa8: {  	s7 =	sshll.u32 s26, $0x1;
	_ =	strace $0x80000046;
	[dreg:$0x1] =	wrdreg $0xFFFFFFFF  }
0xa9: {  	s28 =	simm.s32 $_size_execute0_lowered;
	s5 =	sadd.s32 s5, s7;
	[dreg:$0x0] =	wrdreg $0x0  }
0xaa: {  	s7 =	sshll.u32 s28, $0x1;
	[dreg:$0x2] =	wrdreg s5  }
0xab: {  	[dreg:$0x3] =	wrdreg s7  }
0xac: {  	[dreg:$0x4] =	wrdreg $0xC0  }
0xad: {  	_ =	task [dreg:s9], $0x5FFFF  }
0xae: {  	[dreg:$0x1] =	wrdreg $0xFFFFFFFF  }
0xaf: {  	[dreg:$0x0] =	wrdreg $0x60  }
0xb0: {  	[dreg:$0x2] =	wrdreg s4  }
0xb1: {  	[dreg:$0x3] =	wrdreg s2  }
0xb2: {  	[dreg:$0x4] =	wrdreg s24  }
0xb3: {  	[dreg:$0x5] =	wrdreg s18  }
0xb4: {  	[dreg:$0x6] =	wrdreg $0x9  }
0xb5: {  	_ =	task.clear_ibuf [dreg:s9], $0x7FFFF;
	_ =	strace $0x90000046  }
0xb6: {  	s29 =	simm.s32 $0x9;
	_ =	strace $0x80000048  }
0xb7: {  	_ =	swait.ge [sflag:s29], $0x1  }
0xb8: {  	[sflag:s29] =	ssyncadd.s32 $0xFFFFFFFF  }
0xb9: {  	_ =	strace $0x90000048  }
0xba: {  	_ =	sfence  }
0xbb: {  	s30 =	sld [smem:$0x0];
	_ =	sdelay $0x2  }
0xbc: {  	s31 =	sshll.u32 s1, $0xD;
	s1 =	sshrl.u32 s1, $0x2  }
0xbd: {  	s3 =	sand.u32 $0x4000, s31;
	s1 =	sadd.s32 s1, s30  }
0xbe: {  	s0 =	sor.u32 s3, s0;
	s1 =	sshll.u32 s1, $0x11  }
0xbf: {  	s0 =	sor.u32 s1, s0  }
0xc0: {  	s0 =	sadd.s32 $0x8F2B, s0  }
0xc1: {  	[sflag:s0] =	ssyncadd.remote.s32 $0x1  }
0xc2: {  	_ =	sfence.sel $0xFFFF  }
0xc3: {  	[dreg:$0x0] =	wrdreg $0xFFFFFFFF;
	(pc) =	sbr.abs _section_cstart, $3  }
0xc4: {  	[dreg:$0x1] =	wrdreg $0xFFFFFFFF  }
0xc5: {  	_ =	task.clear_ibuf [dreg:s9], $0x2FFFF;
	_ =	strace $0x9FFFFFFF  }
0xc6: {  	(tm) =	ssettm $0x7FFFFFFF  }
0xc7: {  	_ =	shalt  }
tec
execute0_lowered:
.L_overlay_start_1:
0x0: {  	(tag) =	ssettag $0x1  }
0x1: {  	s0 =	rddreg [dreg:$0x0]  }
0x2: {  	s1 =	rddreg [dreg:$0x1]  }
0x3: {  	s2 =	rddreg [dreg:$0x2];
	s4 =	simm.s32 $0x0;
	s3 =	srdreg.scid;
	v0 =	vlaneseq.u32  }
0x4: {  	s5 =	stileid.u32;
	s12 =	simm.s32 $0x80;
	s13 =	simm.s32 $0x100;
	v1 =	vand.u32 $0x7, v0  }
0x5: {  	s14 =	simm.s32 $0x400;
	s3 =	sand.u32 $0x1, s3;
	s6 =	sshll.u32 s5, $0x1;
	v1 =	vmul.u32 $0x8, v1  }
0x6: {  	s16 =	simm.s32 $0x2400;
	[smem:$0x7FF] =	sst s4;
	s7 =	sor.u32 s3, s6  }
0x7: {  	s17 =	simm.s32 $0x3400;
	v0 =	vshrl.u32 v0, $0x3;
	_ =	strace $0x80000047;
	s15 =	sshll.u32 s7, $0x7;
	v63 =	vor.u32 $0x1, v1;
	[tilespmem:$0x1FFF0] =	vst v1  }
0x8: {  	s20 =	simm.s32 $0x1;
	s21 =	simm.s32 $0x4480;
	s22 =	simm.s32 $0x2;
	v41 =	vor.u32 s15, v0;
	[tilespmem:$0x1FF70] =	vst v63  }
0x9: {  	s23 =	simm.s32 $0x0;
	s31 =	simm.s32 $0x2;
	s25 =	sadd.s32 $0xE00, s2;
	v51 =	vor.u32 $0x2, v1;
	[tilespmem:$0x1FF80] =	vst v41  }
0xa: {  	s18 =	simm.s32 $0xA;
	s26 =	sadd.s32 $0x1200, s2;
	[dreg:$0x5] =	wrdreg s25;
	v52 =	vor.u32 $0x3, v1;
	[tilespmem:$0x1FF90] =	vst v51  }
0xb: {  	s19 =	simm.s32 $0xC;
	s29 =	sadd.s32 $0x10, s1;
	[dreg:$0x6] =	wrdreg s26;
	v48 =	vor.u32 $0x4, v1;
	[tilespmem:$0x1FFA0] =	vst v52  }
0xc: {  	s30 =	sadd.s32 $0xE10, s2;
	s3 =	ssub.s32 $0x2, s3;
	[dreg:$0x8] =	wrdreg s29;
	v49 =	vor.u32 $0x5, v1;
	[tilespmem:$0x1FFB0] =	vst v48  }
0xd: {  	[dreg:$0x9] =	wrdreg s30;
	s8 =	sshll.u32 s7, $0xB;
	s28 =	sshrl.u32 s3, $0x1;
	v50 =	vor.u32 $0x6, v1;
	[tilespmem:$0x1FFC0] =	vst v49  }
0xe: {  	s10 =	sadd.s32 s8, s2;
	s3 =	ssub.s32 s3, s28;
	s0 =	sadd.s32 s0, s15;
	v0 =	vmul.u32 $0x80, v0;
	v44 =	vor.u32 $0x7, v1;
	[tilespmem:$0x1FFD0] =	vst v50  }
0xf: {  	s15 =	simm.s32 $0x1400;
	s2 =	simm.s32 $0xE;
	[dreg:$0x7] =	wrdreg s0;
	[tilespmem:$0x1FFE0] =	vst v44  }
0x10: {  	s10 =	sadd.s32 $0x1400, s10;
	s11 =	smax.u32 s3, $0x1;
	s3 =	simm.s32 $0x8;
	[tilespmem:$0x1FF60] =	vst v0  }
.LBB2_1:
0x11: {  	s0 =	rddreg [dreg:$0x7]  }
0x12: {  	[tilespmem:s4], [sflag:$0x1] =	stream.linear.gather [hbm4b:s0+s4], $0x400, $0x38;
	[tilespmem:$0x8480] =	vst v63  }
0x13: {  	s25 =	rddreg [dreg:$0x1]  }
0x14: {  	[tilespmem:s14], [sflag:$0x1] =	stream.strided.gather [hbm4b:s25+s12], $0x1000, s13, s12, $0x38;
	[tilespmem:$0x8480] =	vst v63  }
0x15: {  	s26 =	rddreg [dreg:$0x8]  }
0x16: {  	[tilespmem:s15], [sflag:$0x1] =	stream.strided.gather [hbm4b:s26+s12], $0x1000, s13, s12, $0x38;
	[tilespmem:$0x8480] =	vst v63  }
0x17: {  	s28 =	rddreg [dreg:$0x5]  }
0x18: {  	[tilespmem:s16], [sflag:$0x1] =	stream.strided.gather [hbm4b:s28+s12], $0x1000, s13, s12, $0x38;
	[tilespmem:$0x8480] =	vst v63  }
0x19: {  	s29 =	rddreg [dreg:$0x9]  }
0x1a: {  	[tilespmem:s17], [sflag:$0x1] =	stream.strided.gather [hbm4b:s29+s12], $0x1000, s13, s12, $0x38;
	[tilespmem:$0x8480] =	vst v63  }
0x1b: {  	s30 =	rddreg [dreg:$0x6];
	s1 =	simm.s32 $0x4400  }
0x1c: {  	[tilespmem:s1], [sflag:$0x1] =	stream.linear.gather [hbm4b:s30+s4], $0x30, $0x38;
	[tilespmem:$0x8480] =	vst v63  }
0x1d: {  	s5 =	simm.s32 $0x4430;
	s1 =	rddreg [dreg:$0x3]  }
0x1e: {  	[tilespmem:s5], [sflag:$0x1] =	stream.linear.gather [hbm4b:s1+s4], $0x8, $0x38;
	[tilespmem:$0x8480] =	vst v63  }
0x1f: {  	_ =	swait.ge [sflag:s20], $0x400  }
0x20: {  	[sflag:s20] =	ssyncset.done $0x0  }
0x21: {  	[sflag:s20] =	ssyncadd.s32 $0xFFFFFC00  }
0x22: {  	_ =	swait.ge [sflag:s20], $0x1000  }
0x23: {  	[sflag:s20] =	ssyncset.done $0x0  }
0x24: {  	[sflag:s20] =	ssyncadd.s32 $0xFFFFF000  }
0x25: {  	_ =	swait.ge [sflag:s20], $0x1000  }
0x26: {  	[sflag:s20] =	ssyncset.done $0x0  }
0x27: {  	[sflag:s20] =	ssyncadd.s32 $0xFFFFF000  }
0x28: {  	_ =	swait.ge [sflag:s20], $0x1000  }
0x29: {  	[sflag:s20] =	ssyncset.done $0x0  }
0x2a: {  	[sflag:s20] =	ssyncadd.s32 $0xFFFFF000  }
0x2b: {  	_ =	swait.ge [sflag:s20], $0x1000  }
0x2c: {  	[sflag:s20] =	ssyncset.done $0x0  }
0x2d: {  	[sflag:s20] =	ssyncadd.s32 $0xFFFFF000  }
0x2e: {  	_ =	swait.ge [sflag:s20], $0x30  }
0x2f: {  	[sflag:s20] =	ssyncset.done $0x0  }
0x30: {  	[sflag:s20] =	ssyncadd.s32 $0xFFFFFFD0  }
0x31: {  	_ =	swait.ge [sflag:s20], $0x8  }
0x32: {  	[sflag:s20] =	ssyncset.done $0x0  }
0x33: {  	[sflag:s20] =	ssyncadd.s32 $0xFFFFFFF8  }
0x34: {  	v0 =	vld [tilespmem:$0x4400]  }
0x35: {  	v4 =	vld [tilespmem:$0x4410]  }
0x36: {  	v5 =	vld [tilespmem:$0x4420];
	_ =	sdelay $0x2  }
0x37: {  	v52 =	vbroadcast v0, $0x0  }
0x38: {  	s6 =	simm.s32 $0x20;
	s25 =	simm.s32 $0x6;
	v47 =	vbroadcast v0, $0x8;
	v37 =	vbroadcast v4, $0x8  }
0x39: {  	v2 =	vor.u32 s25, v41;
	v1 =	vld [tilespmem:s6+$0x10];
	v14 =	vbroadcast v5, $0x0;
	v53 =	vbroadcast v0, $0x1  }
0x3a: {  	v46 =	vbroadcast v0, $0x9;
	v42 =	vbroadcast v4, $0x9  }
0x3b: {  	v49 =	vbroadcast v5, $0x1;
	v63 =	vbroadcast v0, $0x2  }
0x3c: {  	v6 =	vld [tilespmem:$0x4430];
	v62 =	vbroadcast v0, $0xA;
	v61 =	vbroadcast v4, $0xA  }
0x3d: {  	v51 =	vbroadcast v5, $0x2;
	v32 =	vbroadcast v5, $0x3;
	[tilespmem:$0x1FAD0] =	vst v14  }
0x3e: {  	v59 =	vbroadcast v0, $0x3;
	v58 =	vbroadcast v0, $0xB;
	v3 =	vld.idx.msk [tilespmem:v2+s17+$0x0], $0xffff  }
0x3f: {  	(v2sf) =	vpush v4, $0x0;
	v60 =	vbroadcast v4, $0xB;
	v33 =	vbroadcast v5, $0x4;
	v7 =	vld.idx.msk [tilespmem:v2+s16+$0x0], $0xffff;
	[tilespmem:$0x1FB00] =	vst v32  }
0x40: {  	v56 =	vbroadcast v0, $0x4;
	v57 =	vbroadcast v0, $0xC;
	(v2sf) =	vpush v5, $0x8;
	v8 =	vld.idx.msk [tilespmem:v2+s14+$0x0], $0xffff  }
0x41: {  	v55 =	vbroadcast v4, $0xC;
	v34 =	vbroadcast v5, $0x5;
	(v2sf) =	vpush v6, $0x0;
	v9 =	vld.idx.msk [tilespmem:v1+s17+$0x0], $0xffff;
	[tilespmem:$0x1FB10] =	vst v33  }
0x42: {  	v44 =	vbroadcast v0, $0x5;
	v45 =	vbroadcast v0, $0xD;
	(v2sf) =	vpush v4, $0x1;
	v10 =	vld.idx.msk [tilespmem:v2+s15+$0x0], $0xffff  }
0x43: {  	v54 =	vbroadcast v4, $0xD;
	v40 =	vbroadcast v0, $0x6;
	(v2sf) =	vpush v5, $0x9;
	v11 =	vld.idx.msk [tilespmem:v1+s16+$0x0], $0xffff;
	[tilespmem:$0x1F930] =	vst v34  }
0x44: {  	v43 =	vbroadcast v0, $0xE;
	v50 =	vbroadcast v4, $0xE;
	(v2sf) =	vpush v6, $0x1;
	v12 =	vld.idx.msk [tilespmem:v1+s14+$0x0], $0xffff  }
0x45: {  	v35 =	vbroadcast v5, $0x6;
	v38 =	vbroadcast v0, $0x7;
	(v2sf) =	vpush v4, $0x2;
	v13 =	vld.idx.msk [tilespmem:v1+s15+$0x0], $0xffff  }
0x46: {  	v39 =	vbroadcast v0, $0xF;
	v48 =	vbroadcast v4, $0xF;
	(v2sf) =	vpush v5, $0xA  }
0x47: {  	v36 =	vbroadcast v5, $0x7;
	(v2sf) =	vpush v6, $0x2;
	v9 =	vsub.f32 v9, v3  }
0x48: {  	v0 =	vor.u32 s4, v41;
	(v2sf) =	vpush v4, $0x3;
	v7 =	vsub.f32 v11, v7  }
0x49: {  	[tilespmem:$0x1FB20] =	vst v35;
	(v2sf) =	vpush v5, $0xB;
	v11 =	vmul.f32 v9, v14;
	v8 =	vsub.f32 v12, v8  }
0x4a: {  	[tilespmem:$0x1F940] =	vst v36;
	v12 =	vmul.f32 v9, v49;
	v10 =	vsub.f32 v13, v10;
	v13 =	vmul.f32 v7, v37  }
0x4b: {  	v2 =	vld [tilespmem:s6+$0xFFFFFFE0];
	(v2sf) =	vpush v6, $0x3;
	v15 =	vmul.f32 v7, v42;
	v16 =	vmul.f32 v8, v52  }
0x4c: {  	(v2sf) =	vpush v4, $0x4;
	v17 =	vmul.f32 v10, v47;
	v18 =	vmul.f32 v8, v53  }
0x4d: {  	v1 =	vld [tilespmem:s6+$0xFFFFFFF0];
	(v2sf) =	vpush v5, $0xC;
	v19 =	vmul.f32 v10, v46;
	v20 =	vmul.f32 v8, v63  }
0x4e: {  	v21 =	vmul.f32 v10, v62;
	v22 =	vmul.f32 v8, v59;
	(v2sf) =	vpush v6, $0x4  }
0x4f: {  	v3 =	vld [tilespmem:s6+$0x0];
	v23 =	vmul.f32 v10, v58;
	v25 =	vmul.f32 v8, v56;
	(v2sf) =	vpush v4, $0x5  }
0x50: {  	v26 =	vmul.f32 v10, v57;
	v28 =	vmul.f32 v8, v44;
	(v2sf) =	vpush v5, $0xD  }
0x51: {  	v29 =	vmul.f32 v10, v45;
	v16 =	vadd.f32 v17, v16;
	(v2sf) =	vpush v6, $0x5  }
0x52: {  	v31 =	vmul.f32 v8, v40;
	v17 =	vadd.f32 v19, v18;
	(v2sf) =	vpush v4, $0x6  }
0x53: {  	v8 =	vmul.f32 v8, v38;
	s26 =	spop (v2sf);
	v24 =	vld.idx.msk [tilespmem:v2+s14+$0x0], $0xffff;
	v20 =	vadd.f32 v21, v20;
	(v2sf) =	vpush v5, $0xE  }
0x54: {  	s0 =	simm.s32 $0x4;
	v27 =	vld.idx.msk [tilespmem:v2+s15+$0x0], $0xffff;
	v19 =	vmul.f32 v10, v43;
	v22 =	vadd.f32 v23, v22;
	s29 =	spop (v2sf);
	(v2sf) =	vpush v6, $0x6  }
0x55: {  	v30 =	vld.idx.msk [tilespmem:v1+s14+$0x0], $0xffff;
	v10 =	vmul.f32 v10, v39;
	s28 =	spop (v2sf);
	(v2sf) =	vpush v4, $0x7;
	v4 =	vor.u32 s0, v41  }
0x56: {  	v18 =	vld.idx.msk [tilespmem:v1+s15+$0x0], $0xffff;
	v23 =	vadd.f32 v26, v25;
	v26 =	vmul.f32 v7, v61;
	v28 =	vadd.f32 v29, v28  }
0x57: {  	v21 =	vld.idx.msk [tilespmem:v3+s14+$0x0], $0xffff;
	v19 =	vadd.f32 v19, v31;
	(v2sf) =	vpush v5, $0xF;
	v5 =	vor.u32 s31, v41  }
0x58: {  	v25 =	vld.idx.msk [tilespmem:v3+s15+$0x0], $0xffff;
	v31 =	vmul.f32 v7, v60;
	v8 =	vadd.f32 v10, v8;
	v10 =	vadd.f32 v13, v16  }
0x59: {  	v16 =	vmul.f32 v7, v55;
	v15 =	vadd.f32 v15, v17;
	s30 =	spop (v2sf);
	(v2sf) =	vpush v6, $0x7;
	v6 =	vld.idx.msk [tilespmem:v0+s14+$0x0], $0xffff  }
0x5a: {  	v17 =	vmul.f32 v7, v54;
	v20 =	vadd.f32 v26, v20;
	v22 =	vadd.f32 v31, v22;
	v26 =	vld.idx.msk [tilespmem:v4+s14+$0x0], $0xffff  }
0x5b: {  	v14 =	vmul.f32 v9, v51;
	v16 =	vadd.f32 v16, v23;
	v10 =	vadd.f32 v11, v10;
	v23 =	vld.idx.msk [tilespmem:v4+s15+$0x0], $0xffff  }
0x5c: {  	v31 =	vmul.f32 v7, v50;
	v17 =	vadd.f32 v17, v28;
	v7 =	vmul.f32 v7, v48;
	v29 =	vld.idx.msk [tilespmem:v5+s14+$0x0], $0xffff  }
0x5d: {  	v28 =	vmul.f32 v9, v32;
	v12 =	vadd.f32 v12, v15;
	v13 =	vld.idx.msk [tilespmem:v5+s15+$0x0], $0xffff;
	[tilespmem:$0x1FB30] =	vst v10  }
0x5e: {  	v14 =	vadd.f32 v14, v20;
	v15 =	vmul.f32 v9, v35;
	v11 =	vadd.f32 v31, v19;
	v10 =	vld.idx.msk [tilespmem:v0+s15+$0x0], $0xffff  }
0x5f: {  	v7 =	vadd.f32 v7, v8;
	v20 =	vadd.f32 v28, v22;
	v19 =	vld.idx.msk [tilespmem:v2+s16+$0x0], $0xffff;
	[tilespmem:$0x1FB40] =	vst v12  }
0x60: {  	v12 =	vmul.f32 v9, v33;
	v8 =	vld.idx.msk [tilespmem:v1+s16+$0x0], $0xffff;
	[tilespmem:$0x1FB50] =	vst v14;
	v14 =	vmul.f32 v9, v34  }
0x61: {  	v11 =	vadd.f32 v15, v11;
	v6 =	vsub.f32 v24, v6  }
0x62: {  	v9 =	vmul.f32 v9, v36;
	v12 =	vadd.f32 v12, v16;
	v14 =	vadd.f32 v14, v17  }
0x63: {  	v24 =	vmul.f32 v6, v40;
	v16 =	vsub.f32 v25, v23;
	v13 =	vsub.f32 v18, v13  }
0x64: {  	[tilespmem:$0x1FB60] =	vst v20;
	v15 =	vsub.f32 v21, v26;
	v17 =	vmul.f32 v6, v52;
	v21 =	vmul.f32 v6, v63  }
0x65: {  	v7 =	vadd.f32 v9, v7;
	[tilespmem:$0x1FB70] =	vst v12;
	v31 =	vmul.f32 v16, v47;
	v36 =	vmul.f32 v13, v47  }
0x66: {  	v12 =	vld.idx.msk [tilespmem:v3+s16+$0x0], $0xffff;
	v9 =	vsub.f32 v27, v10;
	v32 =	vmul.f32 v13, v46;
	v27 =	vmul.f32 v13, v62  }
0x67: {  	[tilespmem:$0x1FB80] =	vst v14;
	v10 =	vsub.f32 v30, v29;
	v35 =	vmul.f32 v13, v58;
	v30 =	vmul.f32 v13, v45  }
0x68: {  	v14 =	vld.idx.msk [tilespmem:v0+s16+$0x0], $0xffff;
	[tilespmem:$0x1FB90] =	vst v11;
	v18 =	vmul.f32 v9, v47;
	v20 =	vmul.f32 v9, v46  }
0x69: {  	v11 =	vld.idx.msk [tilespmem:v5+s16+$0x0], $0xffff;
	[tilespmem:$0x1FBA0] =	vst v7;
	v22 =	vmul.f32 v9, v62;
	v23 =	vmul.f32 v9, v58  }
0x6a: {  	v33 =	vmul.f32 v10, v63;
	v34 =	vmul.f32 v10, v44;
	v7 =	vld.idx.msk [tilespmem:v4+s16+$0x0], $0xffff  }
0x6b: {  	v28 =	vmul.f32 v10, v56;
	v29 =	vmul.f32 v10, v40  }
0x6c: {  	v21 =	vadd.f32 v22, v21;
	v22 =	vmul.f32 v9, v45;
	v25 =	vadd.f32 v30, v34  }
0x6d: {  	v30 =	vmul.f32 v15, v53;
	v34 =	vmul.f32 v15, v56;
	v14 =	vsub.f32 v19, v14  }
0x6e: {  	v19 =	vmul.f32 v6, v53;
	v8 =	vsub.f32 v8, v11;
	v11 =	vmul.f32 v6, v59  }
0x6f: {  	v7 =	vsub.f32 v12, v7;
	v12 =	vadd.f32 v18, v17;
	v17 =	vmul.f32 v6, v56  }
0x70: {  	v18 =	vmul.f32 v9, v57;
	v19 =	vadd.f32 v20, v19;
	v20 =	vmul.f32 v6, v44  }
0x71: {  	v6 =	vmul.f32 v6, v38;
	v11 =	vadd.f32 v23, v11;
	v23 =	vmul.f32 v9, v43  }
0x72: {  	v9 =	vmul.f32 v9, v39;
	v17 =	vadd.f32 v18, v17;
	v18 =	vmul.f32 v10, v52  }
0x73: {  	v20 =	vadd.f32 v22, v20;
	v22 =	vmul.f32 v10, v53;
	v23 =	vadd.f32 v23, v24  }
0x74: {  	v6 =	vadd.f32 v9, v6;
	v9 =	vmul.f32 v10, v59;
	v10 =	vmul.f32 v10, v38  }
0x75: {  	v24 =	vadd.f32 v27, v33;
	v27 =	vmul.f32 v13, v57;
	v33 =	vmul.f32 v16, v57  }
0x76: {  	v2 =	vld.idx.msk [tilespmem:v2+s17+$0x0], $0xffff;
	v18 =	vadd.f32 v36, v18;
	v22 =	vadd.f32 v32, v22;
	v36 =	vmul.f32 v13, v43  }
0x77: {  	v1 =	vld.idx.msk [tilespmem:v1+s17+$0x0], $0xffff;
	v13 =	vmul.f32 v13, v39;
	v32 =	vmul.f32 v16, v46;
	v9 =	vadd.f32 v35, v9  }
0x78: {  	v5 =	vld.idx.msk [tilespmem:v5+s17+$0x0], $0xffff;
	v27 =	vadd.f32 v27, v28;
	v28 =	vmul.f32 v15, v52;
	v35 =	vmul.f32 v15, v40  }
0x79: {  	v0 =	vld.idx.msk [tilespmem:v0+s17+$0x0], $0xffff;
	v26 =	vadd.f32 v36, v29;
	v29 =	vmul.f32 v15, v63;
	v36 =	vmul.f32 v16, v62  }
0x7a: {  	v3 =	vld.idx.msk [tilespmem:v3+s17+$0x0], $0xffff;
	v10 =	vadd.f32 v13, v10;
	v13 =	vmul.f32 v15, v59;
	v30 =	vadd.f32 v32, v30  }
0x7b: {  	v4 =	vld.idx.msk [tilespmem:v4+s17+$0x0], $0xffff;
	v32 =	vmul.f32 v16, v58;
	v28 =	vadd.f32 v31, v28;
	v31 =	vmul.f32 v15, v44  }
0x7c: {  	v15 =	vmul.f32 v15, v38;
	v29 =	vadd.f32 v36, v29;
	v36 =	vmul.f32 v16, v45  }
0x7d: {  	v13 =	vadd.f32 v32, v13;
	v32 =	vmul.f32 v16, v43;
	v16 =	vmul.f32 v16, v39  }
0x7e: {  	v0 =	vsub.f32 v2, v0;
	v1 =	vsub.f32 v1, v5;
	v2 =	vmul.f32 v14, v42  }
0x7f: {  	v5 =	vmul.f32 v14, v61;
	v15 =	vadd.f32 v16, v15;
	v16 =	vmul.f32 v14, v37  }
0x80: {  	v3 =	vsub.f32 v3, v4;
	v2 =	vadd.f32 v2, v19  }
0x81: {  	v5 =	vadd.f32 v5, v21;
	v4 =	vadd.f32 v16, v12;
	v12 =	vmul.f32 v14, v60  }
0x82: {  	v19 =	vmul.f32 v14, v54;
	v33 =	vadd.f32 v33, v34;
	v16 =	vmul.f32 v14, v55  }
0x83: {  	v21 =	vmul.f32 v14, v50;
	v31 =	vadd.f32 v36, v31;
	v11 =	vadd.f32 v12, v11  }
0x84: {  	v12 =	vadd.f32 v16, v17;
	v16 =	vadd.f32 v19, v20;
	v19 =	vmul.f32 v8, v37  }
0x85: {  	v36 =	vmul.f32 v7, v42;
	v14 =	vmul.f32 v14, v48;
	v17 =	vadd.f32 v21, v23  }
0x86: {  	[tilespmem:$0x1FA50] =	vst v42;
	v21 =	vmul.f32 v8, v55;
	v18 =	vadd.f32 v19, v18;
	v19 =	vmul.f32 v8, v60  }
0x87: {  	v34 =	vmovc v42;
	v6 =	vadd.f32 v14, v6;
	v14 =	vmul.f32 v8, v42;
	v42 =	vmul.f32 v7, v55  }
0x88: {  	v9 =	vadd.f32 v19, v9;
	v19 =	vadd.f32 v21, v27;
	v21 =	vmul.f32 v8, v50;
	_ =	sdelay $0x1  }
0x89: {  	v21 =	vadd.f32 v21, v26;
	v26 =	vadd.f32 v42, v33;
	v42 =	vld [tilespmem:$0x1FAD0];
	_ =	sdelay $0x1  }
0x8a: {  	v20 =	vmul.f32 v8, v61;
	v23 =	vmul.f32 v7, v37  }
0x8b: {  	v14 =	vadd.f32 v14, v22;
	v22 =	vmul.f32 v8, v54;
	v8 =	vmul.f32 v8, v48  }
0x8c: {  	v32 =	vadd.f32 v32, v35  }
0x8d: {  	v8 =	vadd.f32 v8, v10;
	v10 =	vadd.f32 v23, v28;
	v28 =	vmul.f32 v0, v42  }
0x8e: {  	v35 =	vmovc v37;
	v37 =	vmul.f32 v7, v61;
	v20 =	vadd.f32 v20, v24;
	v24 =	vadd.f32 v36, v30  }
0x8f: {  	v22 =	vadd.f32 v22, v25;
	v33 =	vld [tilespmem:$0x1FB00];
	v4 =	vadd.f32 v28, v4  }
0x90: {  	v36 =	vld [tilespmem:$0x1FB10];
	v25 =	vadd.f32 v37, v29;
	v29 =	vmul.f32 v0, v49;
	v23 =	vmul.f32 v7, v60  }
0x91: {  	v27 =	vmul.f32 v7, v50;
	[tilespmem:$0x1FBB0] =	vst v4;
	v4 =	vmul.f32 v0, v51  }
0x92: {  	v37 =	vld [tilespmem:$0x1F930];
	v2 =	vadd.f32 v29, v2;
	v13 =	vadd.f32 v23, v13;
	v23 =	vmul.f32 v7, v54  }
0x93: {  	v27 =	vadd.f32 v27, v32;
	v32 =	vld [tilespmem:$0x1F940];
	v7 =	vmul.f32 v7, v48;
	v4 =	vadd.f32 v4, v5  }
0x94: {  	s24 =	simm.s32 $0x60;
	[tilespmem:$0x1FBC0] =	vst v2;
	v23 =	vadd.f32 v23, v31;
	v31 =	vld [tilespmem:$0x1FB20];
	v2 =	vmul.f32 v0, v33  }
0x95: {  	v7 =	vadd.f32 v7, v15;
	v15 =	vld [tilespmem:s24+$0x10];
	[tilespmem:$0x1FBD0] =	vst v4;
	v4 =	vmul.f32 v0, v36  }
0x96: {  	v2 =	vadd.f32 v2, v11  }
0x97: {  	v5 =	vmul.f32 v0, v37;
	v4 =	vadd.f32 v4, v12  }
0x98: {  	[tilespmem:$0x1FBE0] =	vst v2  }
0x99: {  	v2 =	vmul.f32 v0, v31;
	[tilespmem:$0x1FBF0] =	vst v4;
	v4 =	vadd.f32 v5, v16  }
0x9a: {  	v0 =	vmul.f32 v0, v32  }
0x9b: {  	v2 =	vadd.f32 v2, v17;
	[tilespmem:$0x1FC00] =	vst v4;
	v4 =	vmul.f32 v1, v42  }
0x9c: {  	v0 =	vadd.f32 v0, v6  }
0x9d: {  	v28 =	vor.u32 s2, v41;
	[tilespmem:$0x1FC10] =	vst v2;
	v2 =	vadd.f32 v4, v18  }
0x9e: {  	[tilespmem:$0x1FC20] =	vst v0;
	v0 =	vmul.f32 v1, v49  }
0x9f: {  	[tilespmem:$0x1FC30] =	vst v2;
	v2 =	vmul.f32 v1, v51  }
0xa0: {  	v0 =	vadd.f32 v0, v14  }
0xa1: {  	v4 =	vmul.f32 v1, v33;
	v2 =	vadd.f32 v2, v20  }
0xa2: {  	v5 =	vld.idx.msk [tilespmem:v28+s17+$0x0], $0xffff;
	[tilespmem:$0x1FC40] =	vst v0;
	v0 =	vmul.f32 v1, v36  }
0xa3: {  	v12 =	vld.idx.msk [tilespmem:v28+s14+$0x0], $0xffff;
	[tilespmem:$0x1FC50] =	vst v2;
	v2 =	vadd.f32 v4, v9  }
0xa4: {  	v6 =	vmul.f32 v1, v37;
	v0 =	vadd.f32 v0, v19  }
0xa5: {  	[tilespmem:$0x1FC60] =	vst v2;
	v2 =	vmul.f32 v1, v31  }
0xa6: {  	v4 =	vld.idx.msk [tilespmem:v28+s15+$0x0], $0xffff;
	[tilespmem:$0x1FC70] =	vst v0;
	v0 =	vadd.f32 v6, v22  }
0xa7: {  	v2 =	vadd.f32 v2, v21  }
0xa8: {  	[tilespmem:$0x1FC80] =	vst v0;
	v0 =	vmul.f32 v1, v32  }
0xa9: {  	v1 =	vld.idx.msk [tilespmem:v15+s14+$0x0], $0xffff;
	[tilespmem:$0x1FC90] =	vst v2;
	v2 =	vmul.f32 v3, v42  }
0xaa: {  	v11 =	vmov v49;
	v0 =	vadd.f32 v0, v8  }
0xab: {  	v6 =	vmul.f32 v3, v11;
	[tilespmem:$0x1FAE0] =	vst v11;
	v2 =	vadd.f32 v2, v10  }
0xac: {  	v9 =	vmov v32;
	v32 =	vmov v11;
	v11 =	vmul.f32 v3, v51;
	v14 =	vld.idx.msk [tilespmem:v15+s15+$0x0], $0xffff;
	[tilespmem:$0x1FCA0] =	vst v0  }
0xad: {  	v0 =	vld.idx.msk [tilespmem:v28+s16+$0x0], $0xffff;
	[tilespmem:$0x1FCB0] =	vst v2;
	v2 =	vadd.f32 v6, v24  }
0xae: {  	v16 =	vmul.f32 v3, v33;
	v8 =	vadd.f32 v11, v25;
	[tilespmem:$0x1FAF0] =	vst v51  }
0xaf: {  	[tilespmem:$0x1FCC0] =	vst v2;
	v2 =	vmul.f32 v3, v36  }
0xb0: {  	v6 =	vld.idx.msk [tilespmem:v15+s17+$0x0], $0xffff;
	[tilespmem:$0x1FCD0] =	vst v8;
	v8 =	vadd.f32 v16, v13  }
0xb1: {  	v2 =	vadd.f32 v2, v26  }
0xb2: {  	[tilespmem:$0x1FCE0] =	vst v8  }
0xb3: {  	v15 =	vld.idx.msk [tilespmem:v15+s16+$0x0], $0xffff;
	[tilespmem:$0x1FCF0] =	vst v2;
	v2 =	vmul.f32 v3, v37  }
0xb4: {  	v1 =	vsub.f32 v1, v12  }
0xb5: {  	v10 =	vmul.f32 v3, v31;
	v4 =	vsub.f32 v14, v4;
	v2 =	vadd.f32 v2, v23  }
0xb6: {  	v19 =	vmul.f32 v1, v44;
	v21 =	vmul.f32 v1, v40;
	v11 =	vld [tilespmem:s24+$0xFFFFFFE0]  }
0xb7: {  	v16 =	vmul.f32 v4, v58;
	v3 =	vmul.f32 v3, v9;
	[tilespmem:$0x1FD00] =	vst v2;
	v2 =	vadd.f32 v10, v27  }
0xb8: {  	v18 =	vmul.f32 v4, v57;
	v20 =	vmul.f32 v4, v45;
	v10 =	vor.u32 s3, v41  }
0xb9: {  	v22 =	vmul.f32 v4, v43;
	v14 =	vsub.f32 v6, v5;
	[tilespmem:$0x1FD70] =	vst v2;
	v2 =	vadd.f32 v3, v7  }
0xba: {  	v49 =	vmovc v37;
	v37 =	vmovc v31;
	v5 =	vmul.f32 v1, v53;
	v6 =	vmul.f32 v4, v46;
	v23 =	vor.u32 s19, v41;
	v12 =	vld [tilespmem:s24+$0xFFFFFFF0]  }
0xbb: {  	v0 =	vsub.f32 v15, v0;
	v15 =	vmul.f32 v4, v62;
	v3 =	vmul.f32 v4, v47;
	[tilespmem:$0x1FDA0] =	vst v2  }
0xbc: {  	v19 =	vadd.f32 v20, v19;
	v8 =	vmovc v35;
	v7 =	vmul.f32 v1, v63;
	v2 =	vmul.f32 v1, v52;
	v13 =	vld [tilespmem:s24+$0x0]  }
0xbd: {  	v5 =	vadd.f32 v6, v5;
	v6 =	vmul.f32 v1, v56;
	v31 =	vmul.f32 v14, v32;
	v17 =	vld.idx.msk [tilespmem:v10+s14+$0x0], $0xffff  }
0xbe: {  	v7 =	vadd.f32 v15, v7;
	v15 =	vld.idx.msk [tilespmem:v11+s14+$0x0], $0xffff;
	v2 =	vadd.f32 v3, v2;
	v3 =	vmul.f32 v1, v59  }
0xbf: {  	v6 =	vadd.f32 v18, v6;
	v4 =	vmul.f32 v4, v39;
	v18 =	vld.idx.msk [tilespmem:v11+s15+$0x0], $0xffff;
	v1 =	vmul.f32 v1, v38  }
0xc0: {  	v25 =	vmul.f32 v0, v35;
	v35 =	vmul.f32 v0, v55;
	v29 =	vld.idx.msk [tilespmem:v23+s14+$0x0], $0xffff;
	v3 =	vadd.f32 v16, v3  }
0xc1: {  	v32 =	vld.idx.msk [tilespmem:v23+s15+$0x0], $0xffff;
	v16 =	vor.u32 s18, v41;
	v4 =	vadd.f32 v4, v1;
	v1 =	vmul.f32 v0, v61  }
0xc2: {  	v34 =	vmul.f32 v0, v34;
	v26 =	vadd.f32 v35, v6;
	v6 =	vmul.f32 v14, v42;
	v20 =	vld.idx.msk [tilespmem:v12+s14+$0x0], $0xffff  }
0xc3: {  	v2 =	vadd.f32 v25, v2;
	v7 =	vadd.f32 v1, v7;
	v1 =	vmul.f32 v0, v54;
	v24 =	vld.idx.msk [tilespmem:v12+s15+$0x0], $0xffff  }
0xc4: {  	v21 =	vadd.f32 v22, v21;
	v28 =	vmul.f32 v0, v60;
	v5 =	vadd.f32 v34, v5;
	v22 =	vld.idx.msk [tilespmem:v13+s14+$0x0], $0xffff  }
0xc5: {  	v19 =	vadd.f32 v1, v19;
	v1 =	vadd.f32 v6, v2;
	v27 =	vld.idx.msk [tilespmem:v13+s15+$0x0], $0xffff  }
0xc6: {  	v30 =	vmul.f32 v0, v50;
	v3 =	vadd.f32 v28, v3;
	v0 =	vmul.f32 v0, v48;
	v25 =	vld.idx.msk [tilespmem:v16+s14+$0x0], $0xffff  }
0xc7: {  	v2 =	vmul.f32 v14, v51;
	v28 =	vld.idx.msk [tilespmem:v16+s15+$0x0], $0xffff;
	[tilespmem:$0x1FD10] =	vst v1;
	v1 =	vadd.f32 v31, v5  }
0xc8: {  	v4 =	vadd.f32 v0, v4;
	v0 =	vmul.f32 v14, v33  }
0xc9: {  	v21 =	vadd.f32 v30, v21;
	v30 =	vld.idx.msk [tilespmem:v10+s15+$0x0], $0xffff;
	[tilespmem:$0x1FD20] =	vst v1;
	v1 =	vadd.f32 v2, v7  }
0xca: {  	v0 =	vadd.f32 v0, v3;
	v2 =	vmul.f32 v14, v36  }
0xcb: {  	v31 =	vld.idx.msk [tilespmem:v11+s16+$0x0], $0xffff;
	[tilespmem:$0x1FD30] =	vst v1  }
0xcc: {  	v42 =	vmul.f32 v14, v49;
	v33 =	vld.idx.msk [tilespmem:v12+s16+$0x0], $0xffff;
	[tilespmem:$0x1FD40] =	vst v0;
	v0 =	vadd.f32 v2, v26  }
0xcd: {  	v15 =	vsub.f32 v15, v17;
	v3 =	vmul.f32 v14, v37  }
0xce: {  	v14 =	vmul.f32 v14, v9;
	v51 =	vld.idx.msk [tilespmem:v13+s16+$0x0], $0xffff;
	[tilespmem:$0x1FD50] =	vst v0;
	v0 =	vadd.f32 v42, v19  }
0xcf: {  	v36 =	vmul.f32 v15, v52;
	v20 =	vsub.f32 v20, v25;
	v22 =	vsub.f32 v22, v29  }
0xd0: {  	v29 =	vmul.f32 v15, v63;
	v17 =	vsub.f32 v18, v30;
	[tilespmem:$0x1FD60] =	vst v0;
	v0 =	vadd.f32 v3, v21  }
0xd1: {  	v35 =	vmul.f32 v20, v56;
	v42 =	vmul.f32 v15, v59  }
0xd2: {  	v37 =	vmul.f32 v17, v47;
	v19 =	vld.idx.msk [tilespmem:v10+s16+$0x0], $0xffff;
	[tilespmem:$0x1FD80] =	vst v0;
	v0 =	vadd.f32 v14, v4  }
0xd3: {  	v30 =	vmul.f32 v17, v62;
	v21 =	vsub.f32 v24, v28;
	v24 =	vsub.f32 v27, v32  }
0xd4: {  	v27 =	vmul.f32 v15, v53;
	v28 =	vmul.f32 v17, v46;
	v25 =	vadd.f32 v37, v36;
	[tilespmem:$0x1FD90] =	vst v0  }
0xd5: {  	v29 =	vadd.f32 v30, v29;
	v30 =	vmul.f32 v15, v44;
	v36 =	vmul.f32 v15, v40;
	v14 =	vld.idx.msk [tilespmem:v16+s16+$0x0], $0xffff  }
0xd6: {  	v37 =	vmul.f32 v17, v43;
	v27 =	vadd.f32 v28, v27;
	v28 =	vmul.f32 v15, v56;
	v18 =	vld.idx.msk [tilespmem:v23+s16+$0x0], $0xffff  }
0xd7: {  	v15 =	vmul.f32 v15, v38;
	v34 =	vmul.f32 v21, v47;
	v11 =	vld.idx.msk [tilespmem:v11+s17+$0x0], $0xffff;
	[tilespmem:$0x1F950] =	vst v52  }
0xd8: {  	v3 =	vmul.f32 v24, v58;
	v2 =	vmul.f32 v24, v57;
	[tilespmem:$0x1F960] =	vst v47  }
0xd9: {  	v1 =	vmul.f32 v24, v45;
	v32 =	vadd.f32 v37, v36;
	v12 =	vld.idx.msk [tilespmem:v12+s17+$0x0], $0xffff;
	[tilespmem:$0x1F970] =	vst v53  }
0xda: {  	v37 =	vmul.f32 v21, v58;
	v19 =	vsub.f32 v31, v19;
	v31 =	vmul.f32 v17, v58;
	[tilespmem:$0x1F980] =	vst v46  }
0xdb: {  	v36 =	vmul.f32 v20, v44;
	v0 =	vmul.f32 v24, v62;
	v13 =	vld.idx.msk [tilespmem:v13+s17+$0x0], $0xffff  }
0xdc: {  	[tilespmem:$0x1F990] =	vst v63;
	v26 =	vadd.f32 v31, v42;
	v31 =	vmul.f32 v17, v45;
	v42 =	vmul.f32 v21, v46  }
0xdd: {  	v6 =	vld [tilespmem:$0x1FA50];
	[tilespmem:$0x1F9A0] =	vst v62;
	v18 =	vsub.f32 v51, v18;
	v51 =	vmul.f32 v17, v57;
	v17 =	vmul.f32 v17, v39  }
0xde: {  	v16 =	vld.idx.msk [tilespmem:v16+s17+$0x0], $0xffff;
	v14 =	vsub.f32 v33, v14;
	v30 =	vadd.f32 v31, v30;
	v31 =	vmul.f32 v20, v52  }
0xdf: {  	[tilespmem:$0x1F9B0] =	vst v59;
	v33 =	vmul.f32 v20, v53;
	v28 =	vadd.f32 v51, v28;
	v15 =	vadd.f32 v17, v15  }
0xe0: {  	[tilespmem:$0x1F9C0] =	vst v58;
	v17 =	vmul.f32 v20, v63;
	v51 =	vmul.f32 v21, v62;
	v31 =	vadd.f32 v34, v31  }
0xe1: {  	v10 =	vld.idx.msk [tilespmem:v10+s17+$0x0], $0xffff;
	v34 =	vmul.f32 v20, v59;
	v33 =	vadd.f32 v42, v33;
	v42 =	vmul.f32 v21, v57  }
0xe2: {  	v59 =	vmul.f32 v22, v59;
	v62 =	vmul.f32 v22, v56  }
0xe3: {  	v12 =	vsub.f32 v12, v16;
	v16 =	vmul.f32 v19, v6;
	v17 =	vadd.f32 v51, v17  }
0xe4: {  	v51 =	vmul.f32 v20, v40;
	v34 =	vadd.f32 v37, v34;
	v20 =	vmul.f32 v20, v38  }
0xe5: {  	v37 =	vmul.f32 v21, v45;
	v35 =	vadd.f32 v42, v35;
	v42 =	vmul.f32 v21, v43  }
0xe6: {  	v21 =	vmul.f32 v21, v39;
	v11 =	vsub.f32 v11, v10;
	v10 =	vmul.f32 v19, v8  }
0xe7: {  	v16 =	vadd.f32 v16, v27;
	v27 =	vmul.f32 v14, v8;
	v36 =	vadd.f32 v37, v36  }
0xe8: {  	[tilespmem:$0x1F9D0] =	vst v56;
	v37 =	vmul.f32 v22, v52;
	v20 =	vadd.f32 v21, v20;
	v21 =	vmul.f32 v22, v63  }
0xe9: {  	[tilespmem:$0x1F9E0] =	vst v57;
	v52 =	vmul.f32 v24, v47;
	v42 =	vadd.f32 v42, v51;
	v51 =	vmul.f32 v22, v53  }
0xea: {  	v47 =	vmul.f32 v24, v46;
	v63 =	vmul.f32 v22, v40;
	v4 =	vadd.f32 v0, v21;
	v21 =	vld.idx.msk [tilespmem:v23+s17+$0x0], $0xffff  }
0xeb: {  	v46 =	vmul.f32 v19, v50;
	v23 =	vmul.f32 v22, v44  }
0xec: {  	v0 =	vmul.f32 v24, v43;
	v22 =	vmul.f32 v22, v38  }
0xed: {  	v10 =	vadd.f32 v10, v25;
	[tilespmem:$0x1F9F0] =	vst v44;
	v24 =	vmul.f32 v24, v39;
	v44 =	vmul.f32 v19, v55  }
0xee: {  	[tilespmem:$0x1FA00] =	vst v45;
	v45 =	vmul.f32 v19, v54;
	v1 =	vadd.f32 v1, v23;
	v23 =	vmul.f32 v19, v60  }
0xef: {  	v13 =	vsub.f32 v13, v21;
	v21 =	vmul.f32 v19, v61;
	v19 =	vmul.f32 v19, v48  }
0xf0: {  	v27 =	vadd.f32 v27, v31;
	v31 =	vmul.f32 v14, v50;
	v37 =	vadd.f32 v52, v37  }
0xf1: {  	v22 =	vadd.f32 v24, v22;
	v19 =	vadd.f32 v19, v15;
	v15 =	vmul.f32 v14, v61  }
0xf2: {  	v24 =	vadd.f32 v44, v28;
	v25 =	vadd.f32 v45, v30;
	v28 =	vmul.f32 v14, v6  }
0xf3: {  	v30 =	vmul.f32 v14, v55;
	v17 =	vadd.f32 v15, v17;
	v15 =	vmul.f32 v14, v54  }
0xf4: {  	v21 =	vadd.f32 v21, v29;
	v29 =	vmul.f32 v14, v60;
	v14 =	vmul.f32 v14, v48  }
0xf5: {  	v5 =	vld [tilespmem:$0x1FAD0];
	v51 =	vadd.f32 v47, v51;
	v47 =	vadd.f32 v15, v36;
	v15 =	vmul.f32 v18, v8  }
0xf6: {  	v14 =	vadd.f32 v14, v20;
	v20 =	vmul.f32 v18, v61  }
0xf7: {  	v7 =	vld [tilespmem:$0x1FAF0];
	v3 =	vadd.f32 v3, v59;
	v53 =	vadd.f32 v15, v37;
	v15 =	vmul.f32 v18, v60  }
0xf8: {  	v2 =	vadd.f32 v2, v62;
	v4 =	vadd.f32 v20, v4;
	v20 =	vmul.f32 v18, v55  }
0xf9: {  	v52 =	vmul.f32 v18, v6;
	v0 =	vadd.f32 v0, v63;
	v6 =	vld [tilespmem:$0x1FAE0];
	v3 =	vadd.f32 v15, v3  }
0xfa: {  	[tilespmem:$0x1FA60] =	vst v8;
	v8 =	vld [tilespmem:$0x1FB00];
	v15 =	vmul.f32 v18, v50;
	v2 =	vadd.f32 v20, v2;
	v20 =	vmul.f32 v11, v5  }
0xfb: {  	v56 =	vld [tilespmem:$0x1FB10];
	[tilespmem:$0x1FAA0] =	vst v54;
	v54 =	vmul.f32 v18, v54;
	v18 =	vmul.f32 v18, v48  }
0xfc: {  	v0 =	vadd.f32 v15, v0;
	v15 =	vadd.f32 v20, v10;
	v20 =	vmul.f32 v11, v7;
	_ =	sdelay $0x1  }
0xfd: {  	v22 =	vadd.f32 v18, v22;
	v18 =	vmul.f32 v11, v6;
	v20 =	vadd.f32 v20, v21;
	v21 =	vld [tilespmem:$0x1FB20]  }
0xfe: {  	[tilespmem:$0x1FA90] =	vst v55;
	v23 =	vadd.f32 v23, v26;
	v55 =	vmul.f32 v11, v8  }
0xff: {  	v10 =	vadd.f32 v18, v16;
	v16 =	vmul.f32 v11, v56  }
0x100: {  	[tilespmem:$0x1FE30] =	vst v20;
	v20 =	vadd.f32 v55, v23  }
0x101: {  	v18 =	vmul.f32 v11, v49;
	v16 =	vadd.f32 v16, v24  }
0x102: {  	v26 =	vadd.f32 v46, v32;
	[tilespmem:$0x1FE40] =	vst v20;
	v20 =	vmul.f32 v11, v21  }
0x103: {  	[tilespmem:$0x1FE50] =	vst v16;
	v16 =	vadd.f32 v18, v25  }
0x104: {  	v57 =	vmov v9;
	v11 =	vmul.f32 v11, v9;
	v9 =	vadd.f32 v20, v26  }
0x105: {  	[tilespmem:$0x1FE60] =	vst v16  }
0x106: {  	v16 =	vmul.f32 v12, v5;
	[tilespmem:$0x1FE70] =	vst v9;
	v9 =	vadd.f32 v11, v19;
	_ =	sdelay $0x1  }
0x107: {  	v28 =	vadd.f32 v28, v33;
	v18 =	vmul.f32 v12, v6;
	[tilespmem:$0x1FE80] =	vst v9;
	v9 =	vadd.f32 v16, v27;
	_ =	sdelay $0x1  }
0x108: {  	v11 =	vmul.f32 v12, v7;
	[tilespmem:$0x1FE90] =	vst v9;
	v9 =	vadd.f32 v18, v28;
	_ =	sdelay $0x1  }
0x109: {  	v29 =	vadd.f32 v29, v34;
	v19 =	vmul.f32 v12, v8;
	[tilespmem:$0x1FEA0] =	vst v9;
	v9 =	vadd.f32 v11, v17;
	_ =	sdelay $0x1  }
0x10a: {  	v30 =	vadd.f32 v30, v35;
	v16 =	vmul.f32 v12, v56;
	[tilespmem:$0x1FEB0] =	vst v9;
	v9 =	vadd.f32 v19, v29  }
0x10b: {  	v11 =	vmul.f32 v12, v49  }
0x10c: {  	[tilespmem:$0x1FEC0] =	vst v9;
	v9 =	vadd.f32 v16, v30;
	v16 =	vmul.f32 v12, v21;
	v12 =	vmul.f32 v12, v57  }
0x10d: {  	v58 =	vmov v21;
	v21 =	vadd.f32 v11, v47;
	v11 =	vmul.f32 v13, v5  }
0x10e: {  	v17 =	vadd.f32 v12, v14;
	v12 =	vmul.f32 v13, v7  }
0x10f: {  	v18 =	vadd.f32 v11, v53  }
0x110: {  	v11 =	vmul.f32 v13, v8;
	v20 =	vadd.f32 v12, v4;
	v4 =	vmul.f32 v13, v56  }
0x111: {  	v1 =	vadd.f32 v54, v1;
	v14 =	vld [tilespmem:$0x1FF60];
	v12 =	vmul.f32 v13, v49  }
0x112: {  	[tilespmem:$0x1FA40] =	vst v39;
	v39 =	vadd.f32 v11, v3;
	v3 =	vmul.f32 v13, v58;
	v11 =	vadd.f32 v4, v2;
	v4 =	vld [tilespmem:$0x1FFB0];
	_ =	sdelay $0x1  }
0x113: {  	[tilespmem:$0x1FA30] =	vst v38;
	v38 =	vadd.f32 v12, v1;
	v12 =	vadd.f32 v3, v0;
	v0 =	vmov s31  }
0x114: {  	v0 =	vshll.u32 v0, $0x7  }
0x115: {  	v0 =	vor.u32 v14, v0  }
0x116: {  	v30 =	vor.u32 v4, v0;
	v4 =	vld [tilespmem:$0x1FFC0];
	_ =	sdelay $0x4  }
0x117: {  	v26 =	vor.u32 v4, v0;
	v4 =	vld [tilespmem:$0x1FFD0];
	_ =	sdelay $0x4  }
0x118: {  	v25 =	vor.u32 v4, v0;
	v4 =	vld [tilespmem:$0x1FFE0]  }
0x119: {  	[tilespmem:$0x1FA20] =	vst v43;
	v43 =	vld [tilespmem:$0x1FFA0]  }
0x11a: {  	v31 =	vadd.f32 v31, v42;
	v42 =	vld [tilespmem:$0x1FF70]  }
0x11b: {  	v23 =	vmul.f32 v13, v57;
	v19 =	vmul.f32 v13, v6;
	v13 =	vld [tilespmem:$0x1FFF0]  }
0x11c: {  	[tilespmem:$0x1FA10] =	vst v40;
	v40 =	vld [tilespmem:$0x1FF90]  }
0x11d: {  	v22 =	vadd.f32 v23, v22;
	v23 =	vor.u32 v4, v0;
	v4 =	vld [tilespmem:$0x1FFB0];
	_ =	sdelay $0x1  }
0x11e: {  	v3 =	vmov s25  }
0x11f: {  	v3 =	vshll.u32 v3, $0x7;
	v8 =	vor.u32 v13, v0;
	v27 =	vor.u32 v42, v0  }
0x120: {  	v28 =	vor.u32 v40, v0;
	v29 =	vor.u32 v43, v0;
	v0 =	vor.u32 v14, v3  }
0x121: {  	v62 =	vor.u32 v4, v0;
	v4 =	vld [tilespmem:$0x1FFC0];
	_ =	sdelay $0x4  }
0x122: {  	v35 =	vor.u32 v4, v0;
	v4 =	vld [tilespmem:$0x1FFD0];
	_ =	sdelay $0x4  }
0x123: {  	v36 =	vor.u32 v4, v0;
	v4 =	vld [tilespmem:$0x1FFE0];
	_ =	sdelay $0x3  }
0x124: {  	s1 =	spop (v2sf);
	[tilespmem:$0x1FA70] =	vst v61;
	v16 =	vadd.f32 v16, v31;
	v59 =	vor.u32 v13, v0;
	v31 =	vor.u32 v42, v0  }
0x125: {  	s1 =	sadd.f32 s1, s30;
	[tilespmem:$0x1FA80] =	vst v60;
	v60 =	vor.u32 v40, v0;
	v61 =	vor.u32 v43, v0;
	v7 =	vor.u32 v4, v0;
	v0 =	vld [tilespmem:$0x1FB40]  }
0x126: {  	s26 =	sadd.f32 s29, s26;
	s5 =	spop (v2sf);
	v3 =	vld [tilespmem:$0x1FB30]  }
0x127: {  	v1 =	vmov s0;
	s0 =	sadd.f32 s5, s1  }
0x128: {  	s26 =	sadd.f32 s28, s26;
	s6 =	spop (v2sf)  }
0x129: {  	s7 =	spop (v2sf);
	v46 =	vmov s0  }
0x12a: {  	s7 =	sadd.f32 s7, s6;
	v45 =	vmov s26;
	v63 =	vadd.f32 v0, v46;
	v0 =	vld [tilespmem:$0x1FB50]  }
0x12b: {  	s8 =	spop (v2sf);
	[tilespmem:$0x1FAB0] =	vst v50;
	v3 =	vadd.f32 v3, v45  }
0x12c: {  	[tilespmem:$0x1FAC0] =	vst v48;
	s5 =	sadd.f32 s8, s7  }
0x12d: {  	s9 =	spop (v2sf);
	[tilespmem:$0x1FED0] =	vst v9;
	v3 =	vmax.f32 v3, $0.0e+00  }
0x12e: {  	s29 =	spop (v2sf);
	v54 =	vmov s5;
	[tilespmem:v59+s21+$0x0] =	vst.idx.msk $0xffff, v3  }
0x12f: {  	s25 =	sadd.f32 s29, s9;
	v44 =	vadd.f32 v0, v54;
	v0 =	vld [tilespmem:$0x1FB60]  }
0x130: {  	s30 =	spop (v2sf)  }
0x131: {  	s7 =	sadd.f32 s30, s25  }
0x132: {  	s28 =	spop (v2sf);
	v3 =	vmax.f32 v63, $0.0e+00  }
0x133: {  	s1 =	spop (v2sf);
	v55 =	vmov s7;
	v48 =	vld [tilespmem:$0x1FFB0];
	[tilespmem:v31+s21+$0x0] =	vst.idx.msk $0xffff, v3  }
0x134: {  	s1 =	sadd.f32 s1, s28;
	v47 =	vadd.f32 v0, v55;
	v0 =	vld [tilespmem:$0x1FB70]  }
0x135: {  	s6 =	spop (v2sf)  }
0x136: {  	s0 =	sadd.f32 s6, s1  }
0x137: {  	s9 =	spop (v2sf);
	v3 =	vmax.f32 v44, $0.0e+00  }
0x138: {  	s29 =	spop (v2sf);
	v56 =	vmov s0;
	v49 =	vld [tilespmem:$0x1FFC0];
	[tilespmem:v60+s21+$0x0] =	vst.idx.msk $0xffff, v3  }
0x139: {  	s8 =	sadd.f32 s29, s9;
	v31 =	vadd.f32 v0, v56;
	v0 =	vld [tilespmem:$0x1FB80]  }
0x13a: {  	s25 =	spop (v2sf)  }
0x13b: {  	s6 =	sadd.f32 s25, s8  }
0x13c: {  	s28 =	spop (v2sf);
	v3 =	vmax.f32 v47, $0.0e+00  }
0x13d: {  	s29 =	spop (v2sf);
	v57 =	vmov s6;
	v44 =	vld [tilespmem:$0x1FFE0];
	[tilespmem:v61+s21+$0x0] =	vst.idx.msk $0xffff, v3  }
0x13e: {  	s9 =	sadd.f32 s29, s28;
	v50 =	vadd.f32 v0, v57;
	v0 =	vld [tilespmem:$0x1FB90]  }
0x13f: {  	s30 =	spop (v2sf);
	v3 =	vmax.f32 v31, $0.0e+00  }
0x140: {  	s1 =	sadd.f32 s30, s9;
	[tilespmem:v62+s21+$0x0] =	vst.idx.msk $0xffff, v3  }
0x141: {  	v33 =	vadd.f32 v52, v51;
	s25 =	spop (v2sf);
	v3 =	vmax.f32 v50, $0.0e+00;
	v50 =	vld [tilespmem:$0x1FFD0]  }
0x142: {  	v1 =	vshll.u32 v1, $0x7;
	s26 =	spop (v2sf);
	v47 =	vmov s1  }
0x143: {  	v19 =	vadd.f32 v19, v33;
	v1 =	vor.u32 v14, v1;
	s28 =	sadd.f32 s26, s25;
	v31 =	vadd.f32 v0, v47;
	v0 =	vld [tilespmem:$0x1FBA0]  }
0x144: {  	v33 =	vor.u32 v13, v1;
	v34 =	vor.u32 v42, v1;
	v37 =	vor.u32 v40, v1;
	s29 =	spop (v2sf)  }
0x145: {  	v24 =	vor.u32 v43, v1;
	s30 =	sadd.f32 s29, s28;
	v58 =	vor.u32 v48, v1;
	v59 =	vor.u32 v49, v1  }
0x146: {  	v61 =	vor.u32 v44, v1;
	[tilespmem:v35+s21+$0x0] =	vst.idx.msk $0xffff, v3;
	v60 =	vor.u32 v50, v1;
	v1 =	vmax.f32 v31, $0.0e+00  }
0x147: {  	v53 =	vmov s30;
	[tilespmem:v36+s21+$0x0] =	vst.idx.msk $0xffff, v1  }
0x148: {  	v52 =	vadd.f32 v0, v53;
	v0 =	vld [tilespmem:$0x1FBB0];
	_ =	sdelay $0x2  }
0x149: {  	v2 =	vmov s4  }
0x14a: {  	v2 =	vshll.u32 v2, $0x7  }
0x14b: {  	v2 =	vor.u32 v14, v2;
	v31 =	vadd.f32 v0, v45;
	v0 =	vld [tilespmem:$0x1FBC0]  }
0x14c: {  	v3 =	vor.u32 v13, v2;
	_ =	sdelay $0x1  }
0x14d: {  	v51 =	vor.u32 v40, v2;
	v62 =	vor.u32 v42, v2  }
0x14e: {  	v4 =	vor.u32 v48, v2;
	v5 =	vor.u32 v49, v2;
	v1 =	vmax.f32 v52, $0.0e+00  }
0x14f: {  	v6 =	vor.u32 v50, v2;
	[tilespmem:v7+s21+$0x0] =	vst.idx.msk $0xffff, v1;
	v7 =	vmax.f32 v31, $0.0e+00;
	v63 =	vadd.f32 v0, v46  }
0x150: {  	v1 =	vor.u32 v44, v2;
	v0 =	vor.u32 v43, v2;
	v2 =	vld [tilespmem:$0x1FBD0];
	[tilespmem:v3+s21+$0x0] =	vst.idx.msk $0xffff, v7  }
0x151: {  	v3 =	vld [tilespmem:$0x1FBE0];
	v31 =	vmax.f32 v63, $0.0e+00  }
0x152: {  	v7 =	vld [tilespmem:$0x1FBF0];
	[tilespmem:v62+s21+$0x0] =	vst.idx.msk $0xffff, v31  }
0x153: {  	v9 =	vld [tilespmem:$0x1FC00];
	_ =	sdelay $0x4  }
0x154: {  	v2 =	vadd.f32 v2, v54;
	v31 =	vadd.f32 v9, v57;
	v9 =	vld [tilespmem:$0x1FC10];
	_ =	sdelay $0x1  }
0x155: {  	v3 =	vadd.f32 v3, v55;
	v2 =	vmax.f32 v2, $0.0e+00  }
0x156: {  	[tilespmem:v51+s21+$0x0] =	vst.idx.msk $0xffff, v2  }
0x157: {  	v7 =	vadd.f32 v7, v56;
	v3 =	vmax.f32 v3, $0.0e+00;
	v2 =	vld [tilespmem:$0x1FC20]  }
0x158: {  	v52 =	vadd.f32 v9, v47;
	v9 =	vld [tilespmem:$0x1FC30];
	[tilespmem:v0+s21+$0x0] =	vst.idx.msk $0xffff, v3  }
0x159: {  	v7 =	vmax.f32 v7, $0.0e+00;
	v0 =	vld [tilespmem:$0x1FC40]  }
0x15a: {  	v3 =	vld [tilespmem:$0x1FC50];
	[tilespmem:v4+s21+$0x0] =	vst.idx.msk $0xffff, v7  }
0x15b: {  	v31 =	vmax.f32 v31, $0.0e+00;
	v4 =	vld [tilespmem:$0x1FC60]  }
0x15c: {  	v7 =	vld [tilespmem:$0x1FC70];
	[tilespmem:v5+s21+$0x0] =	vst.idx.msk $0xffff, v31  }
0x15d: {  	v62 =	vadd.f32 v9, v45;
	v9 =	vld [tilespmem:$0x1FC90];
	_ =	sdelay $0x1  }
0x15e: {  	v2 =	vadd.f32 v2, v53;
	v32 =	vmax.f32 v52, $0.0e+00  }
0x15f: {  	v5 =	vld [tilespmem:$0x1FC80];
	[tilespmem:v6+s21+$0x0] =	vst.idx.msk $0xffff, v32  }
0x160: {  	v2 =	vmax.f32 v2, $0.0e+00;
	v0 =	vadd.f32 v0, v46;
	v6 =	vld [tilespmem:$0x1FCA0]  }
0x161: {  	v3 =	vadd.f32 v3, v54;
	v31 =	vadd.f32 v9, v47;
	v9 =	vld [tilespmem:$0x1FCB0];
	[tilespmem:v1+s21+$0x0] =	vst.idx.msk $0xffff, v2;
	v2 =	vmax.f32 v62, $0.0e+00  }
0x162: {  	v4 =	vadd.f32 v4, v55;
	v0 =	vmax.f32 v0, $0.0e+00;
	v1 =	vld [tilespmem:$0x1FCC0];
	[tilespmem:v8+s21+$0x0] =	vst.idx.msk $0xffff, v2  }
0x163: {  	v3 =	vmax.f32 v3, $0.0e+00;
	v2 =	vld [tilespmem:$0x1FCD0];
	[tilespmem:v27+s21+$0x0] =	vst.idx.msk $0xffff, v0  }
0x164: {  	v4 =	vmax.f32 v4, $0.0e+00;
	v0 =	vld [tilespmem:$0x1FCE0];
	[tilespmem:v28+s21+$0x0] =	vst.idx.msk $0xffff, v3  }
0x165: {  	v3 =	vld [tilespmem:$0x1FCF0];
	[tilespmem:v29+s21+$0x0] =	vst.idx.msk $0xffff, v4  }
0x166: {  	v4 =	vld [tilespmem:$0x1FD00];
	_ =	sdelay $0x2  }
0x167: {  	v7 =	vadd.f32 v7, v56;
	_ =	sdelay $0x1  }
0x168: {  	v5 =	vadd.f32 v5, v57;
	v28 =	vadd.f32 v4, v57;
	v4 =	vmax.f32 v7, $0.0e+00  }
0x169: {  	[tilespmem:v30+s21+$0x0] =	vst.idx.msk $0xffff, v4  }
0x16a: {  	v4 =	vmax.f32 v5, $0.0e+00;
	v5 =	vld [tilespmem:$0x1FD10]  }
0x16b: {  	v63 =	vmov s2  }
0x16c: {  	v8 =	vshll.u32 v63, $0x7  }
0x16d: {  	v8 =	vor.u32 v14, v8  }
0x16e: {  	v27 =	vor.u32 v13, v8;
	[tilespmem:v26+s21+$0x0] =	vst.idx.msk $0xffff, v4  }
0x16f: {  	v32 =	vadd.f32 v9, v45;
	v4 =	vmax.f32 v31, $0.0e+00;
	v9 =	vld [tilespmem:$0x1FD20];
	v5 =	vadd.f32 v5, v45  }
0x170: {  	[tilespmem:v25+s21+$0x0] =	vst.idx.msk $0xffff, v4  }
0x171: {  	v4 =	vmax.f32 v5, $0.0e+00;
	v5 =	vld [tilespmem:$0x1FD30]  }
0x172: {  	v7 =	vor.u32 v42, v8;
	_ =	sdelay $0x1  }
0x173: {  	v29 =	vor.u32 v40, v8;
	v35 =	vadd.f32 v9, v46;
	[tilespmem:v27+s21+$0x0] =	vst.idx.msk $0xffff, v4  }
0x174: {  	v9 =	vld [tilespmem:$0x1FD40]  }
0x175: {  	v4 =	vmax.f32 v35, $0.0e+00;
	v5 =	vadd.f32 v5, v54  }
0x176: {  	[tilespmem:v7+s21+$0x0] =	vst.idx.msk $0xffff, v4  }
0x177: {  	v4 =	vmax.f32 v5, $0.0e+00;
	v5 =	vld [tilespmem:$0x1FD50]  }
0x178: {  	v30 =	vor.u32 v43, v8;
	[tilespmem:v29+s21+$0x0] =	vst.idx.msk $0xffff, v4  }
0x179: {  	v51 =	vadd.f32 v9, v55;
	v9 =	vld [tilespmem:$0x1FD60]  }
0x17a: {  	v36 =	vor.u32 v48, v8  }
0x17b: {  	v27 =	vor.u32 v49, v8;
	v7 =	vor.u32 v50, v8  }
0x17c: {  	v4 =	vor.u32 v44, v8;
	v8 =	vmax.f32 v51, $0.0e+00;
	v5 =	vadd.f32 v5, v56  }
0x17d: {  	[tilespmem:v30+s21+$0x0] =	vst.idx.msk $0xffff, v8  }
0x17e: {  	v8 =	vld [tilespmem:$0x1FD70];
	v9 =	vadd.f32 v9, v57;
	v5 =	vmax.f32 v5, $0.0e+00  }
0x17f: {  	v52 =	vld [tilespmem:$0x1FD80];
	[tilespmem:v36+s21+$0x0] =	vst.idx.msk $0xffff, v5  }
0x180: {  	v5 =	vmax.f32 v9, $0.0e+00;
	v9 =	vld [tilespmem:$0x1FD90];
	_ =	sdelay $0x3  }
0x181: {  	v26 =	vadd.f32 v52, v47  }
0x182: {  	[tilespmem:v27+s21+$0x0] =	vst.idx.msk $0xffff, v5;
	v9 =	vadd.f32 v9, v53  }
0x183: {  	v6 =	vadd.f32 v6, v53;
	v5 =	vld [tilespmem:$0x1FDA0];
	v26 =	vmax.f32 v26, $0.0e+00  }
0x184: {  	[tilespmem:v7+s21+$0x0] =	vst.idx.msk $0xffff, v26;
	v7 =	vmax.f32 v9, $0.0e+00;
	v9 =	vmov s18  }
0x185: {  	v6 =	vmax.f32 v6, $0.0e+00;
	v1 =	vadd.f32 v1, v46;
	[tilespmem:v4+s21+$0x0] =	vst.idx.msk $0xffff, v7;
	v4 =	vshll.u32 v9, $0x7  }
0x186: {  	v2 =	vadd.f32 v2, v54;
	[tilespmem:v23+s21+$0x0] =	vst.idx.msk $0xffff, v6;
	v6 =	vor.u32 v14, v4;
	v4 =	vmax.f32 v32, $0.0e+00  }
0x187: {  	v0 =	vadd.f32 v0, v55;
	v1 =	vmax.f32 v1, $0.0e+00;
	v8 =	vadd.f32 v8, v47;
	[tilespmem:v33+s21+$0x0] =	vst.idx.msk $0xffff, v4  }
0x188: {  	v2 =	vmax.f32 v2, $0.0e+00;
	v5 =	vadd.f32 v5, v53;
	[tilespmem:v34+s21+$0x0] =	vst.idx.msk $0xffff, v1  }
0x189: {  	v36 =	vmax.f32 v0, $0.0e+00;
	v0 =	vmax.f32 v8, $0.0e+00;
	[tilespmem:v37+s21+$0x0] =	vst.idx.msk $0xffff, v2  }
0x18a: {  	[tilespmem:$0x1FDB0] =	vst v0;
	v0 =	vmax.f32 v5, $0.0e+00  }
0x18b: {  	v62 =	vmov s3;
	v63 =	vmov s19  }
0x18c: {  	v25 =	vshll.u32 v62, $0x7;
	v7 =	vshll.u32 v63, $0x7  }
0x18d: {  	v23 =	vor.u32 v14, v25;
	v35 =	vor.u32 v14, v7;
	[tilespmem:$0x1FDC0] =	vst v0;
	v0 =	vmov v13  }
0x18e: {  	v63 =	vor.u32 v0, v35;
	v37 =	vor.u32 v0, v23;
	v0 =	vld [tilespmem:$0x1FE30];
	_ =	sdelay $0x1  }
0x18f: {  	v1 =	vor.u32 v42, v6  }
0x190: {  	[tilespmem:$0x1FDD0] =	vst v1;
	v1 =	vor.u32 v40, v6  }
0x191: {  	[tilespmem:$0x1FDE0] =	vst v1;
	v1 =	vor.u32 v43, v6  }
0x192: {  	[tilespmem:$0x1FDF0] =	vst v1;
	v1 =	vor.u32 v50, v6;
	v31 =	vadd.f32 v0, v54;
	v0 =	vld [tilespmem:$0x1FE40]  }
0x193: {  	[tilespmem:$0x1FE00] =	vst v1;
	v1 =	vor.u32 v44, v6  }
0x194: {  	[tilespmem:$0x1FE10] =	vst v1;
	v1 =	vor.u32 v44, v35  }
0x195: {  	[tilespmem:$0x1FE20] =	vst v1  }
0x196: {  	[tilespmem:v24+s21+$0x0] =	vst.idx.msk $0xffff, v36  }
0x197: {  	v32 =	vadd.f32 v0, v55;
	v0 =	vld [tilespmem:$0x1FE50];
	_ =	sdelay $0x4  }
0x198: {  	v24 =	vadd.f32 v0, v56;
	v0 =	vld [tilespmem:$0x1FE60]  }
0x199: {  	v15 =	vadd.f32 v15, v45  }
0x19a: {  	v3 =	vadd.f32 v3, v56  }
0x19b: {  	v15 =	vmax.f32 v15, $0.0e+00  }
0x19c: {  	v4 =	vmax.f32 v3, $0.0e+00;
	v3 =	vmax.f32 v28, $0.0e+00;
	[tilespmem:v37+s21+$0x0] =	vst.idx.msk $0xffff, v15  }
0x19d: {  	v51 =	vmovc v40;
	v14 =	vor.u32 v40, v35;
	v28 =	vor.u32 v40, v23;
	v40 =	vadd.f32 v0, v57;
	v0 =	vld [tilespmem:$0x1FE70];
	_ =	sdelay $0x3  }
0x19e: {  	v27 =	vor.u32 v42, v23  }
0x19f: {  	v62 =	vor.u32 v42, v35;
	v42 =	vadd.f32 v0, v47;
	v0 =	vld [tilespmem:$0x1FE80]  }
0x1a0: {  	v10 =	vadd.f32 v10, v46;
	_ =	sdelay $0x1  }
0x1a1: {  	v10 =	vmax.f32 v10, $0.0e+00  }
0x1a2: {  	[tilespmem:v27+s21+$0x0] =	vst.idx.msk $0xffff, v10  }
0x1a3: {  	v52 =	vmovc v43;
	v29 =	vor.u32 v43, v23;
	v8 =	vor.u32 v43, v35;
	v43 =	vadd.f32 v0, v53;
	v0 =	vld [tilespmem:$0x1FE90];
	_ =	sdelay $0x4  }
0x1a4: {  	v27 =	vadd.f32 v0, v45;
	v0 =	vld [tilespmem:$0x1FEA0];
	_ =	sdelay $0x2  }
0x1a5: {  	v10 =	vmax.f32 v31, $0.0e+00  }
0x1a6: {  	[tilespmem:v28+s21+$0x0] =	vst.idx.msk $0xffff, v10  }
0x1a7: {  	v15 =	vadd.f32 v0, v46;
	v0 =	vld [tilespmem:$0x1FEB0];
	_ =	sdelay $0x4  }
0x1a8: {  	v30 =	vor.u32 v48, v23;
	v10 =	vmax.f32 v32, $0.0e+00;
	v32 =	vadd.f32 v0, v54;
	v0 =	vld [tilespmem:$0x1FEC0];
	_ =	sdelay $0x2  }
0x1a9: {  	v9 =	vor.u32 v13, v6;
	v34 =	vor.u32 v49, v23  }
0x1aa: {  	v7 =	vor.u32 v48, v35;
	v2 =	vor.u32 v49, v6;
	[tilespmem:v29+s21+$0x0] =	vst.idx.msk $0xffff, v10;
	v10 =	vmax.f32 v24, $0.0e+00  }
0x1ab: {  	v5 =	vor.u32 v50, v35;
	v31 =	vadd.f32 v0, v55;
	v0 =	vld [tilespmem:$0x1FED0];
	[tilespmem:v30+s21+$0x0] =	vst.idx.msk $0xffff, v10  }
0x1ac: {  	v13 =	vor.u32 v48, v6;
	v6 =	vor.u32 v49, v35;
	v35 =	vor.u32 v50, v23;
	[tilespmem:$0x1FEE0] =	vst v47  }
0x1ad: {  	v10 =	vmax.f32 v40, $0.0e+00;
	[tilespmem:$0x1FEF0] =	vst v53  }
0x1ae: {  	[tilespmem:v34+s21+$0x0] =	vst.idx.msk $0xffff, v10  }
0x1af: {  	v23 =	vor.u32 v44, v23;
	[tilespmem:$0x1FF00] =	vst v45  }
0x1b0: {  	v10 =	vmax.f32 v42, $0.0e+00;
	[tilespmem:$0x1FF10] =	vst v46  }
0x1b1: {  	[tilespmem:v35+s21+$0x0] =	vst.idx.msk $0xffff, v10  }
0x1b2: {  	v20 =	vadd.f32 v20, v54;
	v21 =	vadd.f32 v21, v57;
	[tilespmem:$0x1FF20] =	vst v54  }
0x1b3: {  	v33 =	vadd.f32 v16, v47;
	v16 =	vadd.f32 v17, v53;
	v10 =	vmax.f32 v43, $0.0e+00;
	[tilespmem:$0x1FF30] =	vst v55  }
0x1b4: {  	v17 =	vadd.f32 v38, v57;
	v34 =	vadd.f32 v18, v45;
	[tilespmem:v23+s21+$0x0] =	vst.idx.msk $0xffff, v10  }
0x1b5: {  	v18 =	vadd.f32 v19, v46;
	v19 =	vadd.f32 v39, v55;
	[tilespmem:$0x1FF40] =	vst v56  }
0x1b6: {  	s25 =	simm.s32 $0x4;
	s26 =	simm.s32 $0x10;
	v35 =	vadd.f32 v11, v56;
	v29 =	vadd.f32 v0, v56;
	v10 =	vmax.f32 v27, $0.0e+00;
	[tilespmem:$0x1FF50] =	vst v57  }
.LBB2_2:
0x1b7: {  	_ = 	snop  }
0x1b8: {  	v0 =	vld [tilespmem:$0x1FEE0];
	_ =	sdelay $0x4  }
0x1b9: {  	[tilespmem:v9+s21+$0x0] =	vst.idx.msk $0xffff, v10;
	v9 =	vadd.f32 v12, v0;
	v0 =	vmov v7  }
0x1ba: {  	[tilespmem:$0x1F7A0] =	vst v0;
	v0 =	vld [tilespmem:$0x1FEF0];
	_ =	sdelay $0x4  }
0x1bb: {  	v7 =	vadd.f32 v22, v0;
	v0 =	vmov v6  }
0x1bc: {  	[tilespmem:$0x1F760] =	vst v0;
	v0 =	vld [tilespmem:$0x1FDB0];
	_ =	sdelay $0x2  }
0x1bd: {  	[tilespmem:v58+s21+$0x0] =	vst.idx.msk $0xffff, v4  }
0x1be: {  	s24 =	sadd.s32 $0x40, s24;
	[tilespmem:v59+s21+$0x0] =	vst.idx.msk $0xffff, v3  }
0x1bf: {  	v27 =	vld [tilespmem:s24+$0x0];
	[tilespmem:v60+s21+$0x0] =	vst.idx.msk $0xffff, v0;
	v0 =	vmov v5  }
0x1c0: {  	[tilespmem:$0x1F790] =	vst v0;
	v0 =	vld [tilespmem:$0x1FF60];
	_ =	sdelay $0x1  }
0x1c1: {  	s1 =	sadd.s32 $0x2, s26  }
0x1c2: {  	v1 =	vmov v8;
	v8 =	vmov s1  }
0x1c3: {  	v6 =	vshll.u32 v8, $0x7  }
0x1c4: {  	v5 =	vor.u32 v0, v6;
	v6 =	vld [tilespmem:$0x1FDC0];
	_ =	sdelay $0x4  }
0x1c5: {  	[tilespmem:v61+s21+$0x0] =	vst.idx.msk $0xffff, v6;
	v6 =	vld [tilespmem:$0x1FE20];
	_ =	sdelay $0x1  }
0x1c6: {  	v24 =	vor.u32 s26, v41;
	_ =	sdelay $0x2  }
0x1c7: {  	v8 =	vmov v6;
	v6 =	vld [tilespmem:$0x1FDD0];
	_ =	sdelay $0x1  }
0x1c8: {  	[tilespmem:$0x1F870] =	vst v1;
	v1 =	vld.idx.msk [tilespmem:v24+s14+$0x0], $0xffff;
	_ =	sdelay $0x4  }
0x1c9: {  	[tilespmem:$0x1F690] =	vst v1;
	v1 =	vmax.f32 v15, $0.0e+00  }
0x1ca: {  	v25 =	vld [tilespmem:s24+$0xFFFFFFF0];
	[tilespmem:v6+s21+$0x0] =	vst.idx.msk $0xffff, v1;
	v6 =	vmax.f32 v33, $0.0e+00  }
0x1cb: {  	[tilespmem:$0x1F680] =	vst v6;
	v6 =	vld [tilespmem:$0x1FDE0];
	_ =	sdelay $0x4  }
0x1cc: {  	v11 =	vmov s26  }
0x1cd: {  	v3 =	vshll.u32 v11, $0x7  }
0x1ce: {  	v57 =	vor.u32 v0, v3;
	v3 =	vmax.f32 v32, $0.0e+00  }
0x1cf: {  	[tilespmem:v6+s21+$0x0] =	vst.idx.msk $0xffff, v3;
	v3 =	vmax.f32 v16, $0.0e+00  }
0x1d0: {  	[tilespmem:$0x1F7B0] =	vst v3;
	v3 =	vmax.f32 v34, $0.0e+00  }
0x1d1: {  	[tilespmem:$0x1F7D0] =	vst v3;
	v3 =	vmax.f32 v18, $0.0e+00  }
0x1d2: {  	[tilespmem:$0x1F800] =	vst v3;
	v3 =	vld [tilespmem:$0x1FDF0];
	_ =	sdelay $0x3  }
0x1d3: {  	s30 =	sadd.s32 $0x4, s26  }
0x1d4: {  	v4 =	vmov s30  }
0x1d5: {  	v4 =	vshll.u32 v4, $0x7  }
0x1d6: {  	v38 =	vor.u32 v0, v4;
	v4 =	vmax.f32 v31, $0.0e+00  }
0x1d7: {  	[tilespmem:v3+s21+$0x0] =	vst.idx.msk $0xffff, v4;
	v4 =	vld [tilespmem:$0x1FFF0]  }
0x1d8: {  	v1 =	vmax.f32 v29, $0.0e+00  }
0x1d9: {  	[tilespmem:v13+s21+$0x0] =	vst.idx.msk $0xffff, v1;
	v1 =	vmax.f32 v17, $0.0e+00  }
0x1da: {  	[tilespmem:$0x1F920] =	vst v1;
	v1 =	vmax.f32 v9, $0.0e+00  }
0x1db: {  	[tilespmem:$0x1FDB0] =	vst v1;
	v1 =	vmax.f32 v7, $0.0e+00  }
0x1dc: {  	[tilespmem:$0x1FDC0] =	vst v1;
	v1 =	vor.u32 v4, v5  }
0x1dd: {  	[tilespmem:$0x1F8E0] =	vst v1;
	v1 =	vld [tilespmem:$0x1FF70];
	_ =	sdelay $0x1  }
0x1de: {  	v3 =	vmax.f32 v20, $0.0e+00  }
0x1df: {  	[tilespmem:$0x1F830] =	vst v3;
	v3 =	vmax.f32 v19, $0.0e+00  }
0x1e0: {  	[tilespmem:$0x1F880] =	vst v3;
	v3 =	vmax.f32 v35, $0.0e+00  }
0x1e1: {  	[tilespmem:$0x1F8F0] =	vst v3;
	v3 =	vor.u32 v1, v5  }
0x1e2: {  	[tilespmem:$0x1FDD0] =	vst v3;
	v3 =	vor.u32 v51, v5  }
0x1e3: {  	v26 =	vld [tilespmem:s24+$0xFFFFFFE0];
	[tilespmem:$0x1FDE0] =	vst v3;
	v3 =	vor.u32 v52, v5  }
0x1e4: {  	v36 =	vld [tilespmem:s24+$0x10];
	[tilespmem:$0x1FDF0] =	vst v3;
	v3 =	vor.u32 v48, v5  }
0x1e5: {  	[tilespmem:$0x1F860] =	vst v3;
	v3 =	vor.u32 v50, v5  }
0x1e6: {  	[tilespmem:$0x1F740] =	vst v3;
	v3 =	vor.u32 v44, v5  }
0x1e7: {  	[tilespmem:$0x1F7C0] =	vst v3;
	v3 =	vor.u32 v4, v38  }
0x1e8: {  	[tilespmem:$0x1F7F0] =	vst v3;
	v3 =	vor.u32 v1, v38  }
0x1e9: {  	[tilespmem:$0x1F820] =	vst v3;
	v3 =	vor.u32 v51, v38  }
0x1ea: {  	[tilespmem:$0x1F850] =	vst v3;
	v3 =	vor.u32 v52, v38  }
0x1eb: {  	[tilespmem:$0x1F8D0] =	vst v3;
	v3 =	vld.idx.msk [tilespmem:v26+s14+$0x0], $0xffff  }
0x1ec: {  	s0 =	sadd.s32 $0x6, s26;
	v55 =	vld.idx.msk [tilespmem:v36+s16+$0x0], $0xffff  }
0x1ed: {  	[tilespmem:$0x1F840] =	vst v14;
	v37 =	vor.u32 s0, v41;
	v14 =	vld.idx.msk [tilespmem:v36+s15+$0x0], $0xffff  }
0x1ee: {  	v56 =	vmov s0;
	v18 =	vld.idx.msk [tilespmem:v36+s17+$0x0], $0xffff  }
0x1ef: {  	v13 =	vld.idx.msk [tilespmem:v36+s14+$0x0], $0xffff;
	v36 =	vshll.u32 v56, $0x7  }
0x1f0: {  	v43 =	vor.u32 v0, v36;
	v0 =	vld.idx.msk [tilespmem:v27+s14+$0x0], $0xffff;
	[tilespmem:$0x1F6A0] =	vst v3;
	v3 =	vor.u32 v48, v38  }
0x1f1: {  	[tilespmem:$0x1F8C0] =	vst v3;
	v3 =	vor.u32 v49, v38  }
0x1f2: {  	v39 =	vld.idx.msk [tilespmem:v37+s17+$0x0], $0xffff;
	[tilespmem:$0x1F8B0] =	vst v3;
	v3 =	vor.u32 v50, v38  }
0x1f3: {  	[tilespmem:$0x1F910] =	vst v3;
	v3 =	vld.idx.msk [tilespmem:v26+s15+$0x0], $0xffff;
	_ =	sdelay $0x1  }
0x1f4: {  	[tilespmem:$0x1F700] =	vst v0;
	v0 =	vld [tilespmem:$0x1FAE0];
	_ =	sdelay $0x2  }
0x1f5: {  	[tilespmem:$0x1F6B0] =	vst v3;
	v3 =	vor.u32 v44, v38;
	v38 =	vsub.f32 v18, v39;
	_ =	sdelay $0x1  }
0x1f6: {  	v6 =	vmul.f32 v38, v0;
	v0 =	vld [tilespmem:$0x1FAF0];
	_ =	sdelay $0x4  }
0x1f7: {  	v11 =	vmul.f32 v38, v0;
	v0 =	vld.idx.msk [tilespmem:v27+s15+$0x0], $0xffff;
	_ =	sdelay $0x2  }
0x1f8: {  	v40 =	vld.idx.msk [tilespmem:v37+s16+$0x0], $0xffff  }
0x1f9: {  	v42 =	vld.idx.msk [tilespmem:v37+s15+$0x0], $0xffff  }
0x1fa: {  	[tilespmem:$0x1F720] =	vst v0;
	v0 =	vld [tilespmem:$0x1FA60];
	_ =	sdelay $0x2  }
0x1fb: {  	v39 =	vsub.f32 v55, v40;
	_ =	sdelay $0x1  }
0x1fc: {  	v28 =	vor.u32 s1, v41;
	v14 =	vsub.f32 v14, v42;
	v42 =	vmul.f32 v39, v0;
	v0 =	vld [tilespmem:$0x1FB00];
	_ =	sdelay $0x2  }
0x1fd: {  	v21 =	vmax.f32 v21, $0.0e+00  }
0x1fe: {  	[tilespmem:v2+s21+$0x0] =	vst.idx.msk $0xffff, v21  }
0x1ff: {  	v9 =	vmul.f32 v38, v0;
	v0 =	vld.idx.msk [tilespmem:v28+s14+$0x0], $0xffff;
	_ =	sdelay $0x4  }
0x200: {  	[tilespmem:$0x1F6D0] =	vst v0;
	v0 =	vld [tilespmem:$0x1FA70];
	_ =	sdelay $0x4  }
0x201: {  	v30 =	vor.u32 s30, v41;
	v54 =	vor.u32 v49, v5;
	v5 =	vmul.f32 v39, v0;
	v0 =	vld.idx.msk [tilespmem:v28+s15+$0x0], $0xffff;
	_ =	sdelay $0x4  }
0x202: {  	[tilespmem:$0x1F6F0] =	vst v0;
	v0 =	vld.idx.msk [tilespmem:v30+s14+$0x0], $0xffff;
	_ =	sdelay $0x4  }
0x203: {  	[tilespmem:$0x1F710] =	vst v0;
	v0 =	vld [tilespmem:$0x1FF90];
	_ =	sdelay $0x4  }
0x204: {  	v15 =	vor.u32 v0, v43;
	v0 =	vld.idx.msk [tilespmem:v30+s15+$0x0], $0xffff;
	_ =	sdelay $0x3  }
0x205: {  	v47 =	vld [tilespmem:$0x1F970]  }
0x206: {  	[tilespmem:$0x1F730] =	vst v0;
	v0 =	vld [tilespmem:$0x1FFA0]  }
0x207: {  	v45 =	vld [tilespmem:$0x1F990]  }
0x208: {  	v46 =	vld [tilespmem:$0x1F9A0]  }
0x209: {  	v23 =	vld [tilespmem:$0x1F9E0]  }
0x20a: {  	v41 =	vld [tilespmem:$0x1F9B0]  }
0x20b: {  	v31 =	vor.u32 v0, v43;
	v0 =	vld [tilespmem:$0x1FFB0]  }
0x20c: {  	v12 =	vld [tilespmem:$0x1FA40]  }
0x20d: {  	v53 =	vld.idx.msk [tilespmem:v37+s14+$0x0], $0xffff;
	v2 =	vor.u32 v4, v57  }
0x20e: {  	v22 =	vld [tilespmem:$0x1F9D0];
	[tilespmem:$0x1F890] =	vst v2;
	v2 =	vor.u32 v1, v57  }
0x20f: {  	[tilespmem:$0x1F8A0] =	vst v2;
	v2 =	vld.idx.msk [tilespmem:v25+s14+$0x0], $0xffff  }
0x210: {  	v29 =	vor.u32 v0, v43;
	v0 =	vld.idx.msk [tilespmem:v26+s16+$0x0], $0xffff  }
0x211: {  	v20 =	vld [tilespmem:$0x1F9F0]  }
0x212: {  	v19 =	vld [tilespmem:$0x1FA20]  }
0x213: {  	v21 =	vld [tilespmem:$0x1FA00]  }
0x214: {  	v13 =	vsub.f32 v13, v53;
	v53 =	vld [tilespmem:$0x1F950];
	[tilespmem:$0x1F6C0] =	vst v2  }
0x215: {  	v2 =	vmov v54;
	[tilespmem:$0x1F750] =	vst v0;
	v0 =	vld [tilespmem:$0x1FFC0]  }
0x216: {  	[tilespmem:$0x1F900] =	vst v2;
	v2 =	vld.idx.msk [tilespmem:v25+s15+$0x0], $0xffff  }
0x217: {  	v49 =	vld [tilespmem:$0x1F980]  }
0x218: {  	v50 =	vld [tilespmem:$0x1F960]  }
0x219: {  	v17 =	vld [tilespmem:$0x1FA30]  }
0x21a: {  	v58 =	vmul.f32 v14, v46;
	v33 =	vor.u32 v0, v43;
	v0 =	vld.idx.msk [tilespmem:v25+s16+$0x0], $0xffff  }
0x21b: {  	[tilespmem:$0x1F780] =	vst v8;
	v8 =	vmul.f32 v14, v21;
	v59 =	vmul.f32 v13, v45;
	v54 =	vld [tilespmem:$0x1FA90]  }
0x21c: {  	v51 =	vmul.f32 v13, v53;
	[tilespmem:$0x1F6E0] =	vst v2;
	v2 =	vld [tilespmem:$0x1FAD0];
	v56 =	vmul.f32 v14, v49  }
0x21d: {  	v52 =	vmul.f32 v14, v50;
	v55 =	vmul.f32 v13, v47;
	v44 =	vld [tilespmem:$0x1F9C0]  }
0x21e: {  	v35 =	vor.u32 v4, v43;
	v4 =	vmul.f32 v14, v23;
	v18 =	vld [tilespmem:$0x1FA10];
	[tilespmem:$0x1FE20] =	vst v3;
	v3 =	vmul.f32 v13, v22  }
0x21f: {  	v7 =	vmul.f32 v13, v20;
	v51 =	vadd.f32 v52, v51;
	v52 =	vadd.f32 v56, v55;
	[tilespmem:$0x1F770] =	vst v0;
	v0 =	vld [tilespmem:$0x1FFD0]  }
0x220: {  	[tilespmem:$0x1F7E0] =	vst v63;
	v63 =	vmul.f32 v13, v41;
	v56 =	vadd.f32 v58, v59;
	v3 =	vadd.f32 v4, v3  }
0x221: {  	v40 =	vmul.f32 v38, v2;
	v4 =	vadd.f32 v8, v7;
	v8 =	vadd.f32 v42, v51;
	v51 =	vld [tilespmem:$0x1FAC0]  }
0x222: {  	[tilespmem:$0x1F810] =	vst v62;
	v62 =	vld [tilespmem:$0x1FA50];
	v16 =	vor.u32 v1, v43;
	v7 =	vmul.f32 v39, v54;
	v2 =	vmul.f32 v14, v44  }
0x223: {  	v1 =	vmul.f32 v13, v18;
	v13 =	vmul.f32 v13, v17;
	v42 =	vadd.f32 v5, v56;
	v5 =	vld [tilespmem:$0x1FF00]  }
0x224: {  	v32 =	vor.u32 v0, v43;
	v0 =	vmul.f32 v14, v19;
	v14 =	vmul.f32 v14, v12  }
0x225: {  	v3 =	vadd.f32 v7, v3;
	v8 =	vadd.f32 v40, v8  }
0x226: {  	v7 =	vmul.f32 v39, v51;
	v0 =	vadd.f32 v0, v1;
	v1 =	vadd.f32 v14, v13  }
0x227: {  	v48 =	vmul.f32 v39, v62  }
0x228: {  	v1 =	vadd.f32 v7, v1;
	v7 =	vadd.f32 v8, v5;
	v5 =	vld [tilespmem:$0x1FF10]  }
0x229: {  	v13 =	vadd.f32 v48, v52;
	_ =	sdelay $0x1  }
0x22a: {  	v13 =	vadd.f32 v6, v13;
	_ =	sdelay $0x1  }
0x22b: {  	v13 =	vadd.f32 v13, v5;
	v5 =	vld [tilespmem:$0x1FF20];
	_ =	sdelay $0x2  }
0x22c: {  	v8 =	vadd.f32 v11, v42  }
0x22d: {  	v10 =	vld [tilespmem:$0x1FFE0]  }
0x22e: {  	v8 =	vadd.f32 v8, v5;
	v5 =	vld [tilespmem:$0x1FE00];
	_ =	sdelay $0x1  }
0x22f: {  	v2 =	vadd.f32 v2, v63;
	v63 =	vld [tilespmem:$0x1FA80]  }
0x230: {  	v6 =	vld [tilespmem:$0x1F680]  }
0x231: {  	v25 =	vld.idx.msk [tilespmem:v25+s17+$0x0], $0xffff  }
0x232: {  	v43 =	vor.u32 v10, v43;
	v10 =	vld.idx.msk [tilespmem:v28+s16+$0x0], $0xffff  }
0x233: {  	v28 =	vld.idx.msk [tilespmem:v28+s17+$0x0], $0xffff  }
0x234: {  	v58 =	vmul.f32 v39, v63;
	v52 =	vld [tilespmem:$0x1FAA0]  }
0x235: {  	[tilespmem:v5+s21+$0x0] =	vst.idx.msk $0xffff, v6;
	v5 =	vld [tilespmem:$0x1FF30]  }
0x236: {  	v61 =	vld [tilespmem:$0x1FB10];
	v2 =	vadd.f32 v58, v2;
	_ =	sdelay $0x1  }
0x237: {  	v2 =	vadd.f32 v9, v2  }
0x238: {  	v60 =	vld [tilespmem:$0x1F930];
	v14 =	vmul.f32 v39, v52  }
0x239: {  	v2 =	vadd.f32 v2, v5;
	v5 =	vld [tilespmem:$0x1FF40]  }
0x23a: {  	v56 =	vld [tilespmem:$0x1FAB0];
	v4 =	vadd.f32 v14, v4;
	v14 =	vmul.f32 v38, v61;
	_ =	sdelay $0x1  }
0x23b: {  	v3 =	vadd.f32 v14, v3;
	_ =	sdelay $0x1  }
0x23c: {  	v3 =	vadd.f32 v3, v5;
	v5 =	vld [tilespmem:$0x1FF50]  }
0x23d: {  	v34 =	vld.idx.msk [tilespmem:v24+s15+$0x0], $0xffff;
	v58 =	vmul.f32 v39, v56;
	v39 =	vmul.f32 v38, v60  }
0x23e: {  	v55 =	vld [tilespmem:$0x1F940];
	v7 =	vmax.f32 v7, $0.0e+00  }
0x23f: {  	v0 =	vadd.f32 v58, v0;
	v58 =	vld [tilespmem:$0x1FB20];
	[tilespmem:v35+s21+$0x0] =	vst.idx.msk $0xffff, v7;
	v7 =	vmax.f32 v13, $0.0e+00;
	v4 =	vadd.f32 v39, v4  }
0x240: {  	v59 =	vld.idx.msk [tilespmem:v24+s16+$0x0], $0xffff;
	[tilespmem:v16+s21+$0x0] =	vst.idx.msk $0xffff, v7;
	v7 =	vmax.f32 v8, $0.0e+00  }
0x241: {  	[tilespmem:v15+s21+$0x0] =	vst.idx.msk $0xffff, v7;
	v6 =	vld [tilespmem:$0x1F6A0];
	v2 =	vmax.f32 v2, $0.0e+00;
	v4 =	vadd.f32 v4, v5  }
0x242: {  	[tilespmem:v31+s21+$0x0] =	vst.idx.msk $0xffff, v2;
	v2 =	vmax.f32 v3, $0.0e+00;
	v5 =	vld [tilespmem:$0x1F690]  }
0x243: {  	[tilespmem:v29+s21+$0x0] =	vst.idx.msk $0xffff, v2;
	v2 =	vmax.f32 v4, $0.0e+00;
	v4 =	vld [tilespmem:$0x1FEF0]  }
0x244: {  	v48 =	vld.idx.msk [tilespmem:v24+s17+$0x0], $0xffff;
	v24 =	vmul.f32 v38, v58;
	v38 =	vmul.f32 v38, v55  }
0x245: {  	v3 =	vld [tilespmem:$0x1FEE0]  }
0x246: {  	v37 =	vld.idx.msk [tilespmem:v27+s16+$0x0], $0xffff;
	v1 =	vadd.f32 v38, v1  }
0x247: {  	v7 =	vsub.f32 v6, v5;
	v5 =	vld [tilespmem:$0x1F6D0]  }
0x248: {  	v0 =	vadd.f32 v24, v0;
	v1 =	vadd.f32 v1, v4;
	v4 =	vld [tilespmem:$0x1F6C0]  }
0x249: {  	v9 =	vld [tilespmem:$0x1F740]  }
0x24a: {  	v0 =	vadd.f32 v0, v3;
	v3 =	vld [tilespmem:$0x1F6B0]  }
0x24b: {  	v36 =	vld.idx.msk [tilespmem:v30+s16+$0x0], $0xffff  }
0x24c: {  	v6 =	vld [tilespmem:$0x1F6F0]  }
0x24d: {  	v4 =	vsub.f32 v4, v5;
	v5 =	vld [tilespmem:$0x1F6E0]  }
0x24e: {  	v25 =	vsub.f32 v25, v28  }
0x24f: {  	[tilespmem:v33+s21+$0x0] =	vst.idx.msk $0xffff, v2;
	v13 =	vmax.f32 v0, $0.0e+00;
	v0 =	vmov v9;
	v3 =	vsub.f32 v3, v34  }
0x250: {  	v24 =	vsub.f32 v37, v36;
	[tilespmem:$0x1FE00] =	vst v0;
	v0 =	vld [tilespmem:$0x1F750];
	v9 =	vmul.f32 v7, v47;
	v14 =	vmul.f32 v7, v45  }
0x251: {  	v2 =	vld [tilespmem:$0x1F700];
	[tilespmem:v32+s21+$0x0] =	vst.idx.msk $0xffff, v13;
	v16 =	vmul.f32 v7, v41;
	v11 =	vmax.f32 v1, $0.0e+00;
	v13 =	vmul.f32 v3, v49  }
0x252: {  	v15 =	vmul.f32 v3, v46;
	v31 =	vmul.f32 v3, v21;
	v5 =	vsub.f32 v5, v6;
	v6 =	vld [tilespmem:$0x1F710]  }
0x253: {  	v39 =	vmul.f32 v3, v19;
	[tilespmem:v43+s21+$0x0] =	vst.idx.msk $0xffff, v11;
	v11 =	vld [tilespmem:$0x1F770];
	v9 =	vadd.f32 v13, v9  }
0x254: {  	v13 =	vmul.f32 v7, v20;
	v14 =	vadd.f32 v15, v14;
	v15 =	vmul.f32 v7, v18  }
0x255: {  	v1 =	vmul.f32 v7, v53;
	v29 =	vmul.f32 v3, v44;
	v0 =	vsub.f32 v0, v59  }
0x256: {  	v8 =	vld [tilespmem:$0x1F730];
	v13 =	vadd.f32 v31, v13;
	v15 =	vadd.f32 v39, v15;
	v31 =	vmul.f32 v4, v47  }
0x257: {  	v42 =	vmul.f32 v4, v45;
	v28 =	vmul.f32 v0, v56;
	v2 =	vsub.f32 v2, v6;
	v6 =	vld [tilespmem:$0x1F720]  }
0x258: {  	v33 =	vmul.f32 v4, v20;
	v10 =	vsub.f32 v11, v10;
	v11 =	vmul.f32 v3, v23  }
0x259: {  	v15 =	vadd.f32 v28, v15;
	v28 =	vmul.f32 v24, v54;
	v40 =	vmul.f32 v5, v49  }
0x25a: {  	v16 =	vadd.f32 v29, v16;
	v29 =	vmul.f32 v5, v50;
	v43 =	vmul.f32 v5, v46  }
0x25b: {  	v35 =	vmul.f32 v5, v44;
	v36 =	vmul.f32 v5, v23;
	v31 =	vadd.f32 v40, v31  }
0x25c: {  	v40 =	vmul.f32 v5, v21;
	v6 =	vsub.f32 v6, v8;
	v8 =	vmul.f32 v3, v50  }
0x25d: {  	v32 =	vadd.f32 v43, v42;
	v42 =	vmul.f32 v4, v18;
	v43 =	vmul.f32 v5, v19  }
0x25e: {  	v5 =	vmul.f32 v5, v12;
	v1 =	vadd.f32 v8, v1;
	v8 =	vmul.f32 v7, v22  }
0x25f: {  	v3 =	vmul.f32 v3, v12;
	v7 =	vmul.f32 v7, v17  }
0x260: {  	v34 =	vadd.f32 v43, v42;
	v8 =	vadd.f32 v11, v8;
	v11 =	vmul.f32 v4, v53  }
0x261: {  	v39 =	vmul.f32 v2, v20;
	v3 =	vadd.f32 v3, v7;
	v7 =	vmul.f32 v4, v41  }
0x262: {  	v42 =	vmul.f32 v6, v23;
	v11 =	vadd.f32 v29, v11;
	v29 =	vmul.f32 v4, v22  }
0x263: {  	v7 =	vadd.f32 v35, v7;
	v4 =	vmul.f32 v4, v17;
	v35 =	vmul.f32 v2, v53  }
0x264: {  	v53 =	vmul.f32 v2, v47;
	v47 =	vmul.f32 v6, v49  }
0x265: {  	v49 =	vmul.f32 v2, v45;
	v45 =	vmul.f32 v10, v63;
	v29 =	vadd.f32 v36, v29  }
0x266: {  	v36 =	vmul.f32 v6, v50;
	v50 =	vmul.f32 v6, v46;
	v4 =	vadd.f32 v5, v4  }
0x267: {  	v27 =	vld.idx.msk [tilespmem:v27+s17+$0x0], $0xffff;
	v5 =	vmul.f32 v2, v41;
	v41 =	vmul.f32 v6, v44;
	v37 =	vadd.f32 v47, v53  }
0x268: {  	v26 =	vld.idx.msk [tilespmem:v26+s17+$0x0], $0xffff;
	v53 =	vmul.f32 v6, v21;
	v35 =	vadd.f32 v36, v35;
	v36 =	vmul.f32 v2, v22  }
0x269: {  	v30 =	vld.idx.msk [tilespmem:v30+s17+$0x0], $0xffff;
	v38 =	vadd.f32 v50, v49;
	v49 =	vmul.f32 v2, v18;
	v50 =	vmul.f32 v6, v19  }
0x26a: {  	v33 =	vadd.f32 v40, v33;
	v2 =	vmul.f32 v2, v17;
	v6 =	vmul.f32 v6, v12;
	v12 =	vld [tilespmem:$0x1FA60]  }
0x26b: {  	v46 =	vmul.f32 v10, v52;
	v47 =	vmul.f32 v24, v62;
	v39 =	vadd.f32 v53, v39;
	v17 =	vld [tilespmem:$0x1FA70]  }
0x26c: {  	v53 =	vmul.f32 v0, v62;
	v40 =	vadd.f32 v50, v49;
	v2 =	vadd.f32 v6, v2  }
0x26d: {  	v6 =	vsub.f32 v26, v48;
	v48 =	vmul.f32 v0, v63;
	v49 =	vmul.f32 v0, v54  }
0x26e: {  	v5 =	vadd.f32 v41, v5;
	v50 =	vmul.f32 v0, v52;
	v26 =	vmul.f32 v10, v56  }
0x26f: {  	v9 =	vadd.f32 v53, v9;
	v53 =	vmul.f32 v24, v63;
	v41 =	vmul.f32 v0, v12  }
0x270: {  	v27 =	vsub.f32 v27, v30;
	v23 =	vmul.f32 v0, v17;
	v0 =	vmul.f32 v0, v51  }
0x271: {  	v36 =	vadd.f32 v42, v36;
	v30 =	vmul.f32 v10, v12;
	v42 =	vmul.f32 v10, v17  }
0x272: {  	v43 =	vmul.f32 v24, v12;
	v44 =	vmul.f32 v24, v17;
	v12 =	vld [tilespmem:$0x1FAD0];
	v1 =	vadd.f32 v41, v1  }
0x273: {  	v41 =	vmul.f32 v10, v62;
	v14 =	vadd.f32 v23, v14;
	v23 =	vmul.f32 v10, v54  }
0x274: {  	v10 =	vmul.f32 v10, v51;
	v62 =	vmul.f32 v24, v52  }
0x275: {  	v0 =	vadd.f32 v0, v3;
	v3 =	vmul.f32 v24, v56;
	v24 =	vmul.f32 v24, v51  }
0x276: {  	v8 =	vadd.f32 v49, v8;
	v4 =	vadd.f32 v10, v4;
	v10 =	vmul.f32 v6, v61  }
0x277: {  	v2 =	vadd.f32 v24, v2;
	v63 =	vmul.f32 v6, v12  }
0x278: {  	v24 =	vmul.f32 v25, v12;
	v8 =	vadd.f32 v10, v8;
	v10 =	vmul.f32 v27, v12;
	v12 =	vld [tilespmem:$0x1FF90];
	_ =	sdelay $0x2  }
0x279: {  	v18 =	vld [tilespmem:$0x1FAE0]  }
0x27a: {  	v26 =	vadd.f32 v26, v34  }
0x27b: {  	v34 =	vadd.f32 v43, v35;
	v35 =	vadd.f32 v47, v37;
	v51 =	vmovc v12;
	v47 =	vor.u32 v12, v57;
	v12 =	vld [tilespmem:$0x1FFA0]  }
0x27c: {  	v52 =	vmul.f32 v6, v60  }
0x27d: {  	v13 =	vadd.f32 v50, v13;
	v17 =	vld [tilespmem:$0x1FAF0]  }
0x27e: {  	v11 =	vadd.f32 v30, v11;
	v54 =	vmul.f32 v25, v18;
	v30 =	vadd.f32 v41, v31  }
0x27f: {  	v13 =	vadd.f32 v52, v13  }
0x280: {  	v11 =	vadd.f32 v24, v11;
	v24 =	vadd.f32 v54, v30;
	v52 =	vmovc v12;
	v30 =	vor.u32 v12, v57;
	v12 =	vld [tilespmem:$0x1FE10]  }
0x281: {  	v31 =	vmul.f32 v6, v18  }
0x282: {  	v7 =	vadd.f32 v45, v7;
	v45 =	vmul.f32 v6, v17  }
0x283: {  	v37 =	vmul.f32 v27, v17;
	v9 =	vadd.f32 v31, v9;
	v31 =	vmul.f32 v25, v17;
	v17 =	vld [tilespmem:$0x1F7B0];
	_ =	sdelay $0x1  }
0x284: {  	v19 =	vld [tilespmem:$0x1FB00];
	_ =	sdelay $0x2  }
0x285: {  	[tilespmem:v12+s21+$0x0] =	vst.idx.msk $0xffff, v17;
	v17 =	vld [tilespmem:$0x1F7C0]  }
0x286: {  	v5 =	vadd.f32 v53, v5;
	v53 =	vmul.f32 v6, v58;
	v23 =	vadd.f32 v23, v29  }
0x287: {  	v29 =	vadd.f32 v46, v33;
	v46 =	vmul.f32 v6, v19;
	v6 =	vmul.f32 v6, v55  }
0x288: {  	v16 =	vadd.f32 v48, v16;
	v32 =	vadd.f32 v42, v32  }
0x289: {  	v3 =	vadd.f32 v3, v40;
	v0 =	vadd.f32 v6, v0;
	v6 =	vmul.f32 v27, v58  }
0x28a: {  	v38 =	vadd.f32 v44, v38;
	v44 =	vmul.f32 v27, v18;
	v42 =	vmul.f32 v27, v61;
	v12 =	vmovc v17  }
0x28b: {  	v16 =	vadd.f32 v46, v16;
	v46 =	vmul.f32 v27, v60;
	[tilespmem:$0x1FE10] =	vst v12;
	v12 =	vadd.f32 v6, v3;
	v3 =	vld [tilespmem:$0x1F7E0]  }
0x28c: {  	v14 =	vadd.f32 v45, v14;
	v45 =	vmul.f32 v27, v19;
	v27 =	vmul.f32 v27, v55;
	_ =	sdelay $0x1  }
0x28d: {  	v22 =	vadd.f32 v27, v2;
	v2 =	vld [tilespmem:$0x1F7D0];
	_ =	sdelay $0x1  }
0x28e: {  	v6 =	vld [tilespmem:$0x1F810];
	_ =	sdelay $0x2  }
0x28f: {  	[tilespmem:v3+s21+$0x0] =	vst.idx.msk $0xffff, v2;
	v3 =	vld [tilespmem:$0x1F800];
	_ =	sdelay $0x3  }
0x290: {  	v20 =	vld [tilespmem:$0x1FF20]  }
0x291: {  	[tilespmem:v6+s21+$0x0] =	vst.idx.msk $0xffff, v3;
	v3 =	vld [tilespmem:$0x1F820]  }
0x292: {  	v21 =	vld [tilespmem:$0x1FF30]  }
0x293: {  	v40 =	vmul.f32 v25, v19;
	v19 =	vld [tilespmem:$0x1FF10]  }
0x294: {  	v2 =	vld [tilespmem:$0x1F7F0]  }
0x295: {  	v28 =	vadd.f32 v28, v36  }
0x296: {  	v36 =	vadd.f32 v62, v39;
	v62 =	vmov v3;
	v3 =	vadd.f32 v14, v20;
	v14 =	vld [tilespmem:$0x1F840]  }
0x297: {  	v6 =	vadd.f32 v16, v21;
	v16 =	vld [tilespmem:$0x1F870];
	_ =	sdelay $0x1  }
0x298: {  	v1 =	vadd.f32 v63, v1;
	v63 =	vmov v2;
	v2 =	vadd.f32 v9, v19;
	v9 =	vld [tilespmem:$0x1F830]  }
0x299: {  	v17 =	vld [tilespmem:$0x1F880];
	_ =	sdelay $0x3  }
0x29a: {  	v18 =	vld [tilespmem:$0x1FF00];
	[tilespmem:v14+s21+$0x0] =	vst.idx.msk $0xffff, v9  }
0x29b: {  	[tilespmem:v16+s21+$0x0] =	vst.idx.msk $0xffff, v17;
	v16 =	vld [tilespmem:$0x1F890];
	_ =	sdelay $0x3  }
0x29c: {  	v59 =	vld [tilespmem:$0x1F760]  }
0x29d: {  	v48 =	vld [tilespmem:$0x1FFB0];
	v1 =	vadd.f32 v1, v18  }
0x29e: {  	v49 =	vld [tilespmem:$0x1FFC0]  }
0x29f: {  	v50 =	vld [tilespmem:$0x1FFD0];
	v1 =	vmax.f32 v1, $0.0e+00  }
0x2a0: {  	[tilespmem:v16+s21+$0x0] =	vst.idx.msk $0xffff, v1;
	v16 =	vld [tilespmem:$0x1FEE0]  }
0x2a1: {  	v35 =	vadd.f32 v44, v35;
	v44 =	vld [tilespmem:$0x1FFE0]  }
0x2a2: {  	v15 =	vadd.f32 v53, v15;
	v43 =	vmul.f32 v25, v60;
	v41 =	vmul.f32 v25, v61;
	v61 =	vld [tilespmem:$0x1F780]  }
0x2a3: {  	v33 =	vmul.f32 v25, v58;
	v39 =	vor.u32 v48, v57;
	v28 =	vadd.f32 v42, v28;
	v60 =	vld [tilespmem:$0x1F790]  }
0x2a4: {  	v25 =	vmul.f32 v25, v55;
	v7 =	vadd.f32 v40, v7;
	v23 =	vadd.f32 v41, v23;
	v27 =	vld [tilespmem:$0x1FF40]  }
0x2a5: {  	v53 =	vadd.f32 v43, v29;
	v1 =	vmax.f32 v2, $0.0e+00;
	v2 =	vadd.f32 v15, v16;
	v15 =	vld [tilespmem:$0x1F8A0]  }
0x2a6: {  	v54 =	vor.u32 v49, v57;
	v55 =	vor.u32 v50, v57;
	v56 =	vor.u32 v44, v57;
	v57 =	vld [tilespmem:$0x1FF50]  }
0x2a7: {  	v26 =	vadd.f32 v33, v26;
	v37 =	vadd.f32 v37, v38;
	v9 =	vld [tilespmem:$0x1F850]  }
0x2a8: {  	v31 =	vadd.f32 v31, v32;
	v4 =	vadd.f32 v25, v4;
	v17 =	vld [tilespmem:$0x1FEF0]  }
0x2a9: {  	v41 =	vld [tilespmem:$0x1FF80];
	v10 =	vadd.f32 v10, v34;
	v5 =	vadd.f32 v45, v5  }
0x2aa: {  	v58 =	vld [tilespmem:$0x1F7A0];
	v32 =	vadd.f32 v31, v20;
	v31 =	vadd.f32 v7, v21  }
0x2ab: {  	v7 =	vld [tilespmem:$0x1F8C0];
	v34 =	vadd.f32 v10, v18;
	v8 =	vadd.f32 v8, v27  }
0x2ac: {  	v14 =	vmov v9;
	v9 =	vadd.f32 v13, v57;
	v13 =	vld [tilespmem:$0x1F860];
	v33 =	vadd.f32 v26, v16  }
0x2ad: {  	s25 =	sadd.s32 $0x4, s25;
	v16 =	vadd.f32 v4, v17;
	v4 =	vld [tilespmem:$0x1F8F0];
	[tilespmem:v15+s21+$0x0] =	vst.idx.msk $0xffff, v1;
	v1 =	vmax.f32 v3, $0.0e+00;
	v3 =	vadd.f32 v11, v18  }
0x2ae: {  	p0 =	slt.u32 s25, $0x3C;
	v15 =	vadd.f32 v24, v19;
	v11 =	vmov v21;
	[tilespmem:v47+s21+$0x0] =	vst.idx.msk $0xffff, v1;
	v1 =	vmax.f32 v6, $0.0e+00;
	v6 =	vld [tilespmem:$0x1F8B0]  }
.Ltmp0:
0x2af: {  	v18 =	vadd.f32 v35, v19;
	v19 =	vadd.f32 v5, v11;
	v5 =	vld [tilespmem:$0x1F910];
	[tilespmem:v30+s21+$0x0] =	vst.idx.msk $0xffff, v1;
	v1 =	vmax.f32 v8, $0.0e+00;
	(pc) =	sbr.rel @p0 .LBB2_2-.Ltmp0, $4  }
0x2b0: {  	v36 =	vadd.f32 v46, v36;
	v0 =	vadd.f32 v0, v17;
	v8 =	vld [tilespmem:$0x1F8D0];
	[tilespmem:v39+s21+$0x0] =	vst.idx.msk $0xffff, v1;
	v1 =	vmax.f32 v9, $0.0e+00  }
0x2b1: {  	v29 =	vadd.f32 v23, v27;
	v23 =	vmovc v57;
	v10 =	vmax.f32 v3, $0.0e+00;
	v3 =	vld [tilespmem:$0x1F920];
	[tilespmem:v54+s21+$0x0] =	vst.idx.msk $0xffff, v1;
	v1 =	vmax.f32 v2, $0.0e+00  }
0x2b2: {  	v20 =	vadd.f32 v37, v20;
	v0 =	vmax.f32 v0, $0.0e+00;
	v17 =	vadd.f32 v36, v23;
	v9 =	vld [tilespmem:$0x1F8E0];
	[tilespmem:v55+s21+$0x0] =	vst.idx.msk $0xffff, v1  }
0x2b3: {  	s26 =	sadd.s32 $0x8, s26;
	v21 =	vadd.f32 v53, v57;
	v35 =	vadd.f32 v28, v27;
	v2 =	vld [tilespmem:$0x1F900];
	[tilespmem:v56+s21+$0x0] =	vst.idx.msk $0xffff, v0  }
0x2b4: {  	_ =	sdelay $0x4  }
0x2b5: {  	[tilespmem:v58+s21+$0x0] =	vst.idx.msk $0xffff, v4  }
0x2b6: {  	[tilespmem:v59+s21+$0x0] =	vst.idx.msk $0xffff, v3  }
0x2b7: {  	[tilespmem:v9+s21+$0x0] =	vst.idx.msk $0xffff, v10  }
0x2b8: {  	v0 =	vld [tilespmem:$0x1FDB0];
	_ =	sdelay $0x4  }
0x2b9: {  	[tilespmem:v60+s21+$0x0] =	vst.idx.msk $0xffff, v0  }
0x2ba: {  	v1 =	vld [tilespmem:$0x1FDC0];
	_ =	sdelay $0x4  }
0x2bb: {  	[tilespmem:v61+s21+$0x0] =	vst.idx.msk $0xffff, v1  }
0x2bc: {  	v3 =	vld [tilespmem:$0x1FDD0];
	_ =	sdelay $0x6  }
0x2bd: {  	v51 =	vmax.f32 v15, $0.0e+00  }
0x2be: {  	[tilespmem:v3+s21+$0x0] =	vst.idx.msk $0xffff, v51  }
0x2bf: {  	v3 =	vld [tilespmem:$0x1FDE0];
	_ =	sdelay $0x6  }
0x2c0: {  	v52 =	vmax.f32 v32, $0.0e+00  }
0x2c1: {  	[tilespmem:v3+s21+$0x0] =	vst.idx.msk $0xffff, v52  }
0x2c2: {  	v3 =	vld [tilespmem:$0x1FDF0];
	_ =	sdelay $0x6  }
0x2c3: {  	v53 =	vmax.f32 v31, $0.0e+00  }
0x2c4: {  	v54 =	vmax.f32 v29, $0.0e+00;
	[tilespmem:v3+s21+$0x0] =	vst.idx.msk $0xffff, v53  }
0x2c5: {  	v55 =	vmax.f32 v21, $0.0e+00;
	[tilespmem:v13+s21+$0x0] =	vst.idx.msk $0xffff, v54  }
0x2c6: {  	[tilespmem:v2+s21+$0x0] =	vst.idx.msk $0xffff, v55  }
0x2c7: {  	v2 =	vld [tilespmem:$0x1FE00];
	_ =	sdelay $0x6  }
0x2c8: {  	v56 =	vmax.f32 v33, $0.0e+00  }
0x2c9: {  	[tilespmem:v2+s21+$0x0] =	vst.idx.msk $0xffff, v56  }
0x2ca: {  	v2 =	vld [tilespmem:$0x1FE10];
	_ =	sdelay $0x3  }
0x2cb: {  	v58 =	vmax.f32 v34, $0.0e+00  }
0x2cc: {  	v59 =	vmax.f32 v18, $0.0e+00;
	[tilespmem:v63+s21+$0x0] =	vst.idx.msk $0xffff, v58  }
0x2cd: {  	v60 =	vmax.f32 v20, $0.0e+00;
	[tilespmem:v62+s21+$0x0] =	vst.idx.msk $0xffff, v59  }
0x2ce: {  	v57 =	vmax.f32 v16, $0.0e+00;
	[tilespmem:v14+s21+$0x0] =	vst.idx.msk $0xffff, v60  }
0x2cf: {  	[tilespmem:v2+s21+$0x0] =	vst.idx.msk $0xffff, v57  }
0x2d0: {  	v1 =	vld [tilespmem:$0x1FEE0];
	_ =	sdelay $0x3  }
0x2d1: {  	v61 =	vmax.f32 v19, $0.0e+00  }
0x2d2: {  	v62 =	vmax.f32 v35, $0.0e+00;
	[tilespmem:v8+s21+$0x0] =	vst.idx.msk $0xffff, v61;
	v1 =	vadd.f32 v12, v1  }
0x2d3: {  	v63 =	vmax.f32 v17, $0.0e+00;
	v0 =	vld [tilespmem:$0x1FEF0];
	[tilespmem:v7+s21+$0x0] =	vst.idx.msk $0xffff, v62  }
0x2d4: {  	[tilespmem:v6+s21+$0x0] =	vst.idx.msk $0xffff, v63;
	v1 =	vmax.f32 v1, $0.0e+00  }
0x2d5: {  	[tilespmem:v5+s21+$0x0] =	vst.idx.msk $0xffff, v1  }
0x2d6: {  	v1 =	vld [tilespmem:$0x1FE20];
	_ =	sdelay $0x4  }
0x2d7: {  	v0 =	vadd.f32 v22, v0  }
0x2d8: {  	s23 =	sadd.s32 $0x1, s23  }
0x2d9: {  	p0 =	sne.s32 s23, s11;
	v0 =	vmax.f32 v0, $0.0e+00  }
.Ltmp1:
0x2da: {  	[tilespmem:v1+s21+$0x0] =	vst.idx.msk $0xffff, v0;
	(pc) =	sbr.rel @p0 .LBB2_1-.Ltmp1, $4  }
0x2db: {  	[hbm4b:s10+s4] =	stream.linear.scatter [tilespmem:s21], [sflag:$0x2], $0x4000, $0x38;
	[tilespmem:$0x8480] =	vst v63  }
0x2dc: {  	_ =	swait.ge [sflag:s22], $0x4000  }
0x2dd: {  	[sflag:s22] =	ssyncset.done $0x0  }
0x2de: {  	[sflag:s22] =	ssyncadd.s32 $0xFFFFC000  }
0x2df: {  	_ =	sfence.sel $0x180000  }
0x2e0: {  	[bflag:$0x0] =	sbarrier.arrive $0xFFFF  }
0x2e1: {  	_ =	strace $0x90000047  }
0x2e2: {  	s0 =	stileid.u32;
	[bflag:$0x2] =	sbarrier.arrive $0xFFFF  }
0x2e3: {  	p0 =	sne.s32 s0, $0x0;
	s0 =	rddreg [dreg:$0x4]  }
0x2e4: {  	s0 =	sadd.s32 @!p0 $0x100000, s0  }
0x2e5: {  	[sflag:s0] =	ssyncadd.tile.s32 @!p0 $0x1;
	_ =	shalt  }
.Lfunc_end2:
_tile_overlayer_lowered:
.L_overlay_start_2:
0x2e6: {  	(tag) =	ssettag $0x2  }
0x2e7: {  	s0 =	rddreg [dreg:$0x0];
	s2 =	stileid.u32  }
0x2e8: {  	s1 =	rddreg [dreg:$0x1];
	p0 =	sne.s32 s2, $0x0  }
0x2e9: {  	s3 =	rddreg [dreg:$0x2];
	[bflag:$0x3] =	sbarrier.arrive $0xFFFF;
	s2 =	simm.s32 @!p0 $0x1C02  }
0x2ea: {  	[timem:s3], [sflag:s2] =	dma.local @!p0 [hbm:s0], s1  }
0x2eb: {  	s0 =	simm.s32 @!p0 $0x2  }
0x2ec: {  	_ =	swait.ge @!p0 [sflag:s0], s1  }
0x2ed: {  	s1 =	ssub.s32 @!p0 $0x0, s1;
	[sflag:s0] =	ssyncset.done @!p0 $0x0  }
0x2ee: {  	[sflag:s0] =	ssyncadd.s32 @!p0 s1  }
0x2ef: {  	[bflag:$0x3] =	sbarrier.arrive $0xFFFF  }
0x2f0: {  	_ =	shalt  }

</sc_bundles>
